<compile_context>
chip_gen: v7x
topology: tpu7x:2x2x1
jax: 0.10.2.dev20260603
libtpu: 0.0.44.dev20260713+nightly
codegen_flags: <defaults>
</compile_context>

<pallas_src>
import jax
import jax.numpy as jnp
from jax import lax
from jax.experimental import pallas as pl
from jax.experimental.pallas import tpu as pltpu
from jax.experimental.pallas import tpu_sc as plsc

_NUMROWS = 1000000
_D = 32
_BATCH = 16384
_COLS = 26
_B = _BATCH * _COLS
_NC = 2
_NS = 16
_NW = _NC * _NS
_RPW = _BATCH // _NW
_S = 128
_NT = _RPW // _S
_DT = _D // 8
_BT = _BATCH // _S
_PB = _S + 1


def _sc_body(xT2, rw, iw, o_re, o_im, idx_b, rows_r, rows_i, tr_r, tr_i,
             sem_r, sem_i, sem_w):
    c = lax.axis_index("c")
    s = lax.axis_index("s")
    wid = s * _NC + c
    iota = lax.iota(jnp.int32, 16)
    dinv = lax.rem(iota, 8)

    def stage_and_issue(j, buf):
        pltpu.sync_copy(xT2.at[pl.ds(j * _BT + wid * _NT, _NT)],
                        idx_b.at[buf])
        for k in range(_NT):
            pltpu.make_async_copy(
                rw.at[idx_b.at[buf, k]],
                rows_r.at[buf, pl.ds(k * _S, _S)], sem_r
            ).start()
            pltpu.make_async_copy(
                iw.at[idx_b.at[buf, k]],
                rows_i.at[buf, pl.ds(k * _S, _S)], sem_i
            ).start()

    def drain_gathers(j, buf):
        for k in range(_NT):
            pltpu.make_async_copy(
                rw.at[idx_b.at[buf, k]],
                rows_r.at[buf, pl.ds(k * _S, _S)], sem_r
            ).wait()
            pltpu.make_async_copy(
                iw.at[idx_b.at[buf, k]],
                rows_i.at[buf, pl.ds(k * _S, _S)], sem_i
            ).wait()

    def issue_writes(j):
        for dt in range(_DT):
            pltpu.make_async_copy(
                tr_r.at[dt, :, :, pl.ds(0, _S)],
                o_re.at[j, dt, pl.ds(wid * _NT, _NT)], sem_w
            ).start()
            pltpu.make_async_copy(
                tr_i.at[dt, :, :, pl.ds(0, _S)],
                o_im.at[j, dt, pl.ds(wid * _NT, _NT)], sem_w
            ).start()

    def drain_writes(j):
        for dt in range(_DT):
            pltpu.make_async_copy(
                tr_r.at[dt, :, :, pl.ds(0, _S)],
                o_re.at[j, dt, pl.ds(wid * _NT, _NT)], sem_w
            ).wait()
            pltpu.make_async_copy(
                tr_i.at[dt, :, :, pl.ds(0, _S)],
                o_im.at[j, dt, pl.ds(wid * _NT, _NT)], sem_w
            ).wait()

    stage_and_issue(0, 0)

    @pl.loop(0, _COLS)
    def _col(j):
        buf = lax.rem(j, 2)
        nbuf = lax.rem(j + 1, 2)

        @pl.when(j < _COLS - 1)
        def _prefetch():
            stage_and_issue(j + 1, nbuf)

        drain_gathers(j, buf)

        @pl.when(j > 0)
        def _drainw():
            drain_writes(j - 1)

        @pl.loop(0, _NT)
        def _bt(k):
            kks = jnp.full((16,), k, jnp.int32)

            @pl.loop(0, _S)
            def _bi(b_in):
                b = k * _S + b_in
                bb = jnp.full((16,), b_in, jnp.int32)
                for m in range(2):
                    dtv = lax.div(iota, 8) + 2 * m
                    vr = rows_r[buf, b, pl.ds(m * 16, 16)]
                    plsc.store_scatter(tr_r, [dtv, kks, dinv, bb], vr)
                    vi = rows_i[buf, b, pl.ds(m * 16, 16)]
                    plsc.store_scatter(tr_i, [dtv, kks, dinv, bb], vi)

        issue_writes(j)

    drain_writes(_COLS - 1)


def _gather_planes(xT2, rw, iw):
    f = pl.kernel(
        _sc_body,
        out_type=(
            jax.ShapeDtypeStruct((_COLS, _DT, _BT, 8, _S), jnp.float32),
            jax.ShapeDtypeStruct((_COLS, _DT, _BT, 8, _S), jnp.float32),
        ),
        mesh=plsc.VectorSubcoreMesh(core_axis_name="c", subcore_axis_name="s"),
        scratch_types=[
            pltpu.VMEM((2, _NT, _S), jnp.int32),
            pltpu.VMEM((2, _RPW, _D), jnp.float32),
            pltpu.VMEM((2, _RPW, _D), jnp.float32),
            pltpu.VMEM((_DT, _NT, 8, _PB), jnp.float32),
            pltpu.VMEM((_DT, _NT, 8, _PB), jnp.float32),
            pltpu.SemaphoreType.DMA,
            pltpu.SemaphoreType.DMA,
            pltpu.SemaphoreType.DMA,
        ],
        compiler_params=pltpu.CompilerParams(
            use_tc_tiling_on_sc=False, needs_layout_passes=False),
    )
    return f(xT2, rw, iw)


def kernel(x, real_w, imag_w):
    xT2 = jnp.transpose(x).reshape(_B // _S, _S)
    re5, im5 = _gather_planes(xT2, real_w, imag_w)
    re3 = re5.transpose(2, 4, 0, 1, 3).reshape(_BATCH, _COLS, _D)
    im3 = im5.transpose(2, 4, 0, 1, 3).reshape(_BATCH, _COLS, _D)
    return lax.complex(re3, im3)

# --- scband reference (transcript-rebuilt; emitter-appended) ---
"""Pipeline reference for scband-complex-embedding-14379550507628 (READ-ONLY COPY).

The authoritative reference and input builder live on the scoring server;
editing this copy changes nothing except your own understanding.
"""

import jax, jax.numpy as jnp
import numpy as np
import math

NUM_EMBEDDINGS = 1000000
EMBEDDING_DIM = 32
INIT_STD = 0.02


def setup_inputs(seed: int = 0) -> dict:
    key = jax.random.key(seed)
    k1, k2, k3 = jax.random.split(key, 3)
    std = INIT_STD / math.sqrt(2)
    real_w = jax.random.normal(k1, (NUM_EMBEDDINGS, EMBEDDING_DIM), dtype=jnp.float32) * std
    imag_w = jax.random.normal(k2, (NUM_EMBEDDINGS, EMBEDDING_DIM), dtype=jnp.float32) * std
    x = jax.random.randint(k3, (16384, 26), 0, NUM_EMBEDDINGS, dtype=jnp.int32)
    return {"x": x, "real_w": real_w, "imag_w": imag_w}


def reference(x, real_w, imag_w):
    # Complex-valued embedding: gather real and imaginary tables, combine.
    real_emb = jnp.take(real_w, x, axis=0)
    imag_emb = jnp.take(imag_w, x, axis=0)
    return jax.lax.complex(real_emb, imag_emb)

if __name__ == "__main__":
    import jax
    _d = setup_inputs()
    print(jax.jit(kernel)(*tuple(_d.values())))

</pallas_src>

<mosaic_0001>
#map = affine_map<(d0, d1) -> (0, 0)>
#map1 = affine_map<(d0, d1) -> (0, 0, 0, 0, 0)>
module attributes {stable_mosaic.version = 14 : i64} {
  func.func @_sc_body(%arg0: i32, %arg1: i32, %arg2: memref<3328x128xi32, #tpu.memory_space<hbm>>, %arg3: memref<1000000x32xf32, #tpu.memory_space<hbm>>, %arg4: memref<1000000x32xf32, #tpu.memory_space<hbm>>, %arg5: memref<26x4x128x8x128xf32, #tpu.memory_space<hbm>>, %arg6: memref<26x4x128x8x128xf32, #tpu.memory_space<hbm>>, %arg7: memref<2x4x128xi32, #tpu.memory_space<vmem>>, %arg8: memref<2x512x32xf32, #tpu.memory_space<vmem>>, %arg9: memref<2x512x32xf32, #tpu.memory_space<vmem>>, %arg10: memref<4x4x8x129xf32, #tpu.memory_space<vmem>>, %arg11: memref<4x4x8x129xf32, #tpu.memory_space<vmem>>, %arg12: memref<!tpu.dma_semaphore, #tpu.memory_space<semaphore_mem>>, %arg13: memref<!tpu.dma_semaphore, #tpu.memory_space<semaphore_mem>>, %arg14: memref<!tpu.dma_semaphore, #tpu.memory_space<semaphore_mem>>) attributes {dimension_semantics = [#tpu.dimension_semantics<core_parallel>, #tpu.dimension_semantics<subcore_parallel>], iteration_bounds = array<i64: 2, 16>, scalar_prefetch = 0 : i64, scratch_operands = 8 : i64, tpu.core_type = #tpu.core_type<sc_vector_subcore>, window_params = [{transform_indices = #map}, {transform_indices = #map}, {transform_indices = #map}, {transform_indices = #map1}, {transform_indices = #map1}]} {
    %mul3A = arith.constant 2 : i32
    %mul3A_0 = arith.muli %arg1, %mul3A : i32
    %add3A = arith.addi %mul3A_0, %arg0 : i32
    %iota3A = tpu.iota {dimensions = array<i32: 0>} : vector<16xi32>
    %rem3A = arith.constant 8 : i32
    %rem3A_1 = vector.broadcast %rem3A : i32 to vector<16xi32>
    %rem3A_2 = arith.remsi %iota3A, %rem3A_1 : vector<16xi32>
    %mul3A_3 = arith.constant 4 : i32
    %mul3A_4 = arith.muli %add3A, %mul3A_3 : i32
    %add3A_5 = arith.constant 0 : i32
    %add3A_6 = arith.addi %add3A_5, %mul3A_4 : i32
    %run_scoped3A = arith.constant 0 : i32
    "tpu.region"() ({
      %run_scoped3A_297 = tpu.sem_alloc : memref<!tpu.dma_semaphore, #tpu.memory_space<semaphore_mem>>
      %dma_start3A_298 = arith.constant 0 : i32
      %dma_start3A_299 = arith.constant 0 : i32
      %dma_start3A_300 = tpu.memref_slice %arg7[%run_scoped3A, %dma_start3A_298, %dma_start3A_299] : memref<2x4x128xi32, #tpu.memory_space<vmem>> -> memref<1x4x128xi32, #tpu.memory_space<vmem>>
      %dma_start3A_301 = tpu.memref_squeeze %dma_start3A_300 : memref<1x4x128xi32, #tpu.memory_space<vmem>> -> memref<4x128xi32, #tpu.memory_space<vmem>>
      %dma_start3A_302 = arith.constant 0 : i32
      %dma_start3A_303 = tpu.memref_slice %arg2[%add3A_6, %dma_start3A_302] : memref<3328x128xi32, #tpu.memory_space<hbm>> -> memref<4x128xi32, #tpu.memory_space<hbm>>
      %dma_start3A_304 = arith.constant 0 : i32
      %dma_start3A_305 = arith.constant 0 : i32
      %dma_start3A_306 = tpu.memref_slice %arg7[%run_scoped3A, %dma_start3A_304, %dma_start3A_305] : memref<2x4x128xi32, #tpu.memory_space<vmem>> -> memref<1x4x128xi32, #tpu.memory_space<vmem>>
      %dma_start3A_307 = tpu.memref_squeeze %dma_start3A_306 : memref<1x4x128xi32, #tpu.memory_space<vmem>> -> memref<4x128xi32, #tpu.memory_space<vmem>>
      %dma_start3A_308 = arith.constant 0 : i32
      %dma_start3A_309 = tpu.memref_slice %arg2[%add3A_6, %dma_start3A_308] : memref<3328x128xi32, #tpu.memory_space<hbm>> -> memref<4x128xi32, #tpu.memory_space<hbm>>
      tpu.enqueue_dma source(%dma_start3A_309 : memref<4x128xi32, #tpu.memory_space<hbm>>) target(%dma_start3A_307 : memref<4x128xi32, #tpu.memory_space<vmem>>) target_semaphore(%run_scoped3A_297 : memref<!tpu.dma_semaphore, #tpu.memory_space<semaphore_mem>>)
      %dma_wait3A_310 = arith.constant 0 : i32
      %dma_wait3A_311 = arith.constant 0 : i32
      %dma_wait3A_312 = tpu.memref_slice %arg7[%run_scoped3A, %dma_wait3A_310, %dma_wait3A_311] : memref<2x4x128xi32, #tpu.memory_space<vmem>> -> memref<1x4x128xi32, #tpu.memory_space<vmem>>
      %dma_wait3A_313 = tpu.memref_squeeze %dma_wait3A_312 : memref<1x4x128xi32, #tpu.memory_space<vmem>> -> memref<4x128xi32, #tpu.memory_space<vmem>>
      %dma_wait3A_314 = arith.constant 0 : i32
      %dma_wait3A_315 = tpu.memref_slice %arg2[%add3A_6, %dma_wait3A_314] : memref<3328x128xi32, #tpu.memory_space<hbm>> -> memref<4x128xi32, #tpu.memory_space<hbm>>
      %dma_wait3A_316 = arith.constant 0 : i32
      %dma_wait3A_317 = arith.constant 0 : i32
      %dma_wait3A_318 = tpu.memref_slice %arg7[%run_scoped3A, %dma_wait3A_316, %dma_wait3A_317] : memref<2x4x128xi32, #tpu.memory_space<vmem>> -> memref<1x4x128xi32, #tpu.memory_space<vmem>>
      %dma_wait3A_319 = tpu.memref_squeeze %dma_wait3A_318 : memref<1x4x128xi32, #tpu.memory_space<vmem>> -> memref<4x128xi32, #tpu.memory_space<vmem>>
      %dma_wait3A_320 = arith.constant 0 : i32
      %dma_wait3A_321 = tpu.memref_slice %arg2[%add3A_6, %dma_wait3A_320] : memref<3328x128xi32, #tpu.memory_space<hbm>> -> memref<4x128xi32, #tpu.memory_space<hbm>>
      tpu.wait_dma2 semaphore(%run_scoped3A_297 : memref<!tpu.dma_semaphore, #tpu.memory_space<semaphore_mem>>) src(%dma_wait3A_321 : memref<4x128xi32, #tpu.memory_space<hbm>>) dst(%dma_wait3A_319 : memref<4x128xi32, #tpu.memory_space<vmem>>)
      tpu.yield
    }) : () -> ()
    %dma_start3A = arith.constant 0 : i32
    %dma_start3A_7 = arith.constant 0 : i32
    %dma_start3A_8 = arith.constant 0 : i32
    %dma_start3A_9 = arith.constant 0 : i32
    %dma_start3A_10 = arith.constant 0 : i32
    %dma_start3A_11 = tpu.memref_slice %arg8[%dma_start3A_8, %dma_start3A_9, %dma_start3A_10] : memref<2x512x32xf32, #tpu.memory_space<vmem>> -> memref<1x128x32xf32, #tpu.memory_space<vmem>>
    %dma_start3A_12 = tpu.memref_squeeze %dma_start3A_11 : memref<1x128x32xf32, #tpu.memory_space<vmem>> -> memref<128x32xf32, #tpu.memory_space<vmem>>
    %dma_start3A_13 = arith.constant 0 : i32
    %dma_start3A_14 = tpu.memref_slice %arg7[%dma_start3A, %dma_start3A_7, %dma_start3A_13] : memref<2x4x128xi32, #tpu.memory_space<vmem>> -> memref<1x1x128xi32, #tpu.memory_space<vmem>>
    %dma_start3A_15 = tpu.memref_squeeze %dma_start3A_14 : memref<1x1x128xi32, #tpu.memory_space<vmem>> -> memref<128xi32, #tpu.memory_space<vmem>>
    %dma_start3A_16 = arith.constant 0 : i32
    %dma_start3A_17 = arith.constant 0 : i32
    %dma_start3A_18 = tpu.memref_slice %arg3[%dma_start3A_16, %dma_start3A_17] : memref<1000000x32xf32, #tpu.memory_space<hbm>> -> memref<1000000x32xf32, #tpu.memory_space<hbm>>
    tpu.enqueue_indirect_dma source(%dma_start3A_18 : memref<1000000x32xf32, #tpu.memory_space<hbm>>) target(%dma_start3A_12 : memref<128x32xf32, #tpu.memory_space<vmem>>) offsets(%dma_start3A_15 : memref<128xi32, #tpu.memory_space<vmem>>) semaphore(%arg12 : memref<!tpu.dma_semaphore, #tpu.memory_space<semaphore_mem>>)
    %dma_start3A_19 = arith.constant 0 : i32
    %dma_start3A_20 = arith.constant 0 : i32
    %dma_start3A_21 = arith.constant 0 : i32
    %dma_start3A_22 = arith.constant 0 : i32
    %dma_start3A_23 = arith.constant 0 : i32
    %dma_start3A_24 = tpu.memref_slice %arg9[%dma_start3A_21, %dma_start3A_22, %dma_start3A_23] : memref<2x512x32xf32, #tpu.memory_space<vmem>> -> memref<1x128x32xf32, #tpu.memory_space<vmem>>
    %dma_start3A_25 = tpu.memref_squeeze %dma_start3A_24 : memref<1x128x32xf32, #tpu.memory_space<vmem>> -> memref<128x32xf32, #tpu.memory_space<vmem>>
    %dma_start3A_26 = arith.constant 0 : i32
    %dma_start3A_27 = tpu.memref_slice %arg7[%dma_start3A_19, %dma_start3A_20, %dma_start3A_26] : memref<2x4x128xi32, #tpu.memory_space<vmem>> -> memref<1x1x128xi32, #tpu.memory_space<vmem>>
    %dma_start3A_28 = tpu.memref_squeeze %dma_start3A_27 : memref<1x1x128xi32, #tpu.memory_space<vmem>> -> memref<128xi32, #tpu.memory_space<vmem>>
    %dma_start3A_29 = arith.constant 0 : i32
    %dma_start3A_30 = arith.constant 0 : i32
    %dma_start3A_31 = tpu.memref_slice %arg4[%dma_start3A_29, %dma_start3A_30] : memref<1000000x32xf32, #tpu.memory_space<hbm>> -> memref<1000000x32xf32, #tpu.memory_space<hbm>>
    tpu.enqueue_indirect_dma source(%dma_start3A_31 : memref<1000000x32xf32, #tpu.memory_space<hbm>>) target(%dma_start3A_25 : memref<128x32xf32, #tpu.memory_space<vmem>>) offsets(%dma_start3A_28 : memref<128xi32, #tpu.memory_space<vmem>>) semaphore(%arg13 : memref<!tpu.dma_semaphore, #tpu.memory_space<semaphore_mem>>)
    %dma_start3A_32 = arith.constant 0 : i32
    %dma_start3A_33 = arith.constant 1 : i32
    %dma_start3A_34 = arith.constant 0 : i32
    %dma_start3A_35 = arith.constant 128 : i32
    %dma_start3A_36 = arith.constant 0 : i32
    %dma_start3A_37 = tpu.memref_slice %arg8[%dma_start3A_34, %dma_start3A_35, %dma_start3A_36] : memref<2x512x32xf32, #tpu.memory_space<vmem>> -> memref<1x128x32xf32, #tpu.memory_space<vmem>>
    %dma_start3A_38 = tpu.memref_squeeze %dma_start3A_37 : memref<1x128x32xf32, #tpu.memory_space<vmem>> -> memref<128x32xf32, #tpu.memory_space<vmem>>
    %dma_start3A_39 = arith.constant 0 : i32
    %dma_start3A_40 = tpu.memref_slice %arg7[%dma_start3A_32, %dma_start3A_33, %dma_start3A_39] : memref<2x4x128xi32, #tpu.memory_space<vmem>> -> memref<1x1x128xi32, #tpu.memory_space<vmem>>
    %dma_start3A_41 = tpu.memref_squeeze %dma_start3A_40 : memref<1x1x128xi32, #tpu.memory_space<vmem>> -> memref<128xi32, #tpu.memory_space<vmem>>
    %dma_start3A_42 = arith.constant 0 : i32
    %dma_start3A_43 = arith.constant 0 : i32
    %dma_start3A_44 = tpu.memref_slice %arg3[%dma_start3A_42, %dma_start3A_43] : memref<1000000x32xf32, #tpu.memory_space<hbm>> -> memref<1000000x32xf32, #tpu.memory_space<hbm>>
    tpu.enqueue_indirect_dma source(%dma_start3A_44 : memref<1000000x32xf32, #tpu.memory_space<hbm>>) target(%dma_start3A_38 : memref<128x32xf32, #tpu.memory_space<vmem>>) offsets(%dma_start3A_41 : memref<128xi32, #tpu.memory_space<vmem>>) semaphore(%arg12 : memref<!tpu.dma_semaphore, #tpu.memory_space<semaphore_mem>>)
    %dma_start3A_45 = arith.constant 0 : i32
    %dma_start3A_46 = arith.constant 1 : i32
    %dma_start3A_47 = arith.constant 0 : i32
    %dma_start3A_48 = arith.constant 128 : i32
    %dma_start3A_49 = arith.constant 0 : i32
    %dma_start3A_50 = tpu.memref_slice %arg9[%dma_start3A_47, %dma_start3A_48, %dma_start3A_49] : memref<2x512x32xf32, #tpu.memory_space<vmem>> -> memref<1x128x32xf32, #tpu.memory_space<vmem>>
    %dma_start3A_51 = tpu.memref_squeeze %dma_start3A_50 : memref<1x128x32xf32, #tpu.memory_space<vmem>> -> memref<128x32xf32, #tpu.memory_space<vmem>>
    %dma_start3A_52 = arith.constant 0 : i32
    %dma_start3A_53 = tpu.memref_slice %arg7[%dma_start3A_45, %dma_start3A_46, %dma_start3A_52] : memref<2x4x128xi32, #tpu.memory_space<vmem>> -> memref<1x1x128xi32, #tpu.memory_space<vmem>>
    %dma_start3A_54 = tpu.memref_squeeze %dma_start3A_53 : memref<1x1x128xi32, #tpu.memory_space<vmem>> -> memref<128xi32, #tpu.memory_space<vmem>>
    %dma_start3A_55 = arith.constant 0 : i32
    %dma_start3A_56 = arith.constant 0 : i32
    %dma_start3A_57 = tpu.memref_slice %arg4[%dma_start3A_55, %dma_start3A_56] : memref<1000000x32xf32, #tpu.memory_space<hbm>> -> memref<1000000x32xf32, #tpu.memory_space<hbm>>
    tpu.enqueue_indirect_dma source(%dma_start3A_57 : memref<1000000x32xf32, #tpu.memory_space<hbm>>) target(%dma_start3A_51 : memref<128x32xf32, #tpu.memory_space<vmem>>) offsets(%dma_start3A_54 : memref<128xi32, #tpu.memory_space<vmem>>) semaphore(%arg13 : memref<!tpu.dma_semaphore, #tpu.memory_space<semaphore_mem>>)
    %dma_start3A_58 = arith.constant 0 : i32
    %dma_start3A_59 = arith.constant 2 : i32
    %dma_start3A_60 = arith.constant 0 : i32
    %dma_start3A_61 = arith.constant 256 : i32
    %dma_start3A_62 = arith.constant 0 : i32
    %dma_start3A_63 = tpu.memref_slice %arg8[%dma_start3A_60, %dma_start3A_61, %dma_start3A_62] : memref<2x512x32xf32, #tpu.memory_space<vmem>> -> memref<1x128x32xf32, #tpu.memory_space<vmem>>
    %dma_start3A_64 = tpu.memref_squeeze %dma_start3A_63 : memref<1x128x32xf32, #tpu.memory_space<vmem>> -> memref<128x32xf32, #tpu.memory_space<vmem>>
    %dma_start3A_65 = arith.constant 0 : i32
    %dma_start3A_66 = tpu.memref_slice %arg7[%dma_start3A_58, %dma_start3A_59, %dma_start3A_65] : memref<2x4x128xi32, #tpu.memory_space<vmem>> -> memref<1x1x128xi32, #tpu.memory_space<vmem>>
    %dma_start3A_67 = tpu.memref_squeeze %dma_start3A_66 : memref<1x1x128xi32, #tpu.memory_space<vmem>> -> memref<128xi32, #tpu.memory_space<vmem>>
    %dma_start3A_68 = arith.constant 0 : i32
    %dma_start3A_69 = arith.constant 0 : i32
    %dma_start3A_70 = tpu.memref_slice %arg3[%dma_start3A_68, %dma_start3A_69] : memref<1000000x32xf32, #tpu.memory_space<hbm>> -> memref<1000000x32xf32, #tpu.memory_space<hbm>>
    tpu.enqueue_indirect_dma source(%dma_start3A_70 : memref<1000000x32xf32, #tpu.memory_space<hbm>>) target(%dma_start3A_64 : memref<128x32xf32, #tpu.memory_space<vmem>>) offsets(%dma_start3A_67 : memref<128xi32, #tpu.memory_space<vmem>>) semaphore(%arg12 : memref<!tpu.dma_semaphore, #tpu.memory_space<semaphore_mem>>)
    %dma_start3A_71 = arith.constant 0 : i32
    %dma_start3A_72 = arith.constant 2 : i32
    %dma_start3A_73 = arith.constant 0 : i32
    %dma_start3A_74 = arith.constant 256 : i32
    %dma_start3A_75 = arith.constant 0 : i32
    %dma_start3A_76 = tpu.memref_slice %arg9[%dma_start3A_73, %dma_start3A_74, %dma_start3A_75] : memref<2x512x32xf32, #tpu.memory_space<vmem>> -> memref<1x128x32xf32, #tpu.memory_space<vmem>>
    %dma_start3A_77 = tpu.memref_squeeze %dma_start3A_76 : memref<1x128x32xf32, #tpu.memory_space<vmem>> -> memref<128x32xf32, #tpu.memory_space<vmem>>
    %dma_start3A_78 = arith.constant 0 : i32
    %dma_start3A_79 = tpu.memref_slice %arg7[%dma_start3A_71, %dma_start3A_72, %dma_start3A_78] : memref<2x4x128xi32, #tpu.memory_space<vmem>> -> memref<1x1x128xi32, #tpu.memory_space<vmem>>
    %dma_start3A_80 = tpu.memref_squeeze %dma_start3A_79 : memref<1x1x128xi32, #tpu.memory_space<vmem>> -> memref<128xi32, #tpu.memory_space<vmem>>
    %dma_start3A_81 = arith.constant 0 : i32
    %dma_start3A_82 = arith.constant 0 : i32
    %dma_start3A_83 = tpu.memref_slice %arg4[%dma_start3A_81, %dma_start3A_82] : memref<1000000x32xf32, #tpu.memory_space<hbm>> -> memref<1000000x32xf32, #tpu.memory_space<hbm>>
    tpu.enqueue_indirect_dma source(%dma_start3A_83 : memref<1000000x32xf32, #tpu.memory_space<hbm>>) target(%dma_start3A_77 : memref<128x32xf32, #tpu.memory_space<vmem>>) offsets(%dma_start3A_80 : memref<128xi32, #tpu.memory_space<vmem>>) semaphore(%arg13 : memref<!tpu.dma_semaphore, #tpu.memory_space<semaphore_mem>>)
    %dma_start3A_84 = arith.constant 0 : i32
    %dma_start3A_85 = arith.constant 3 : i32
    %dma_start3A_86 = arith.constant 0 : i32
    %dma_start3A_87 = arith.constant 384 : i32
    %dma_start3A_88 = arith.constant 0 : i32
    %dma_start3A_89 = tpu.memref_slice %arg8[%dma_start3A_86, %dma_start3A_87, %dma_start3A_88] : memref<2x512x32xf32, #tpu.memory_space<vmem>> -> memref<1x128x32xf32, #tpu.memory_space<vmem>>
    %dma_start3A_90 = tpu.memref_squeeze %dma_start3A_89 : memref<1x128x32xf32, #tpu.memory_space<vmem>> -> memref<128x32xf32, #tpu.memory_space<vmem>>
    %dma_start3A_91 = arith.constant 0 : i32
    %dma_start3A_92 = tpu.memref_slice %arg7[%dma_start3A_84, %dma_start3A_85, %dma_start3A_91] : memref<2x4x128xi32, #tpu.memory_space<vmem>> -> memref<1x1x128xi32, #tpu.memory_space<vmem>>
    %dma_start3A_93 = tpu.memref_squeeze %dma_start3A_92 : memref<1x1x128xi32, #tpu.memory_space<vmem>> -> memref<128xi32, #tpu.memory_space<vmem>>
    %dma_start3A_94 = arith.constant 0 : i32
    %dma_start3A_95 = arith.constant 0 : i32
    %dma_start3A_96 = tpu.memref_slice %arg3[%dma_start3A_94, %dma_start3A_95] : memref<1000000x32xf32, #tpu.memory_space<hbm>> -> memref<1000000x32xf32, #tpu.memory_space<hbm>>
    tpu.enqueue_indirect_dma source(%dma_start3A_96 : memref<1000000x32xf32, #tpu.memory_space<hbm>>) target(%dma_start3A_90 : memref<128x32xf32, #tpu.memory_space<vmem>>) offsets(%dma_start3A_93 : memref<128xi32, #tpu.memory_space<vmem>>) semaphore(%arg12 : memref<!tpu.dma_semaphore, #tpu.memory_space<semaphore_mem>>)
    %dma_start3A_97 = arith.constant 0 : i32
    %dma_start3A_98 = arith.constant 3 : i32
    %dma_start3A_99 = arith.constant 0 : i32
    %dma_start3A_100 = arith.constant 384 : i32
    %dma_start3A_101 = arith.constant 0 : i32
    %dma_start3A_102 = tpu.memref_slice %arg9[%dma_start3A_99, %dma_start3A_100, %dma_start3A_101] : memref<2x512x32xf32, #tpu.memory_space<vmem>> -> memref<1x128x32xf32, #tpu.memory_space<vmem>>
    %dma_start3A_103 = tpu.memref_squeeze %dma_start3A_102 : memref<1x128x32xf32, #tpu.memory_space<vmem>> -> memref<128x32xf32, #tpu.memory_space<vmem>>
    %dma_start3A_104 = arith.constant 0 : i32
    %dma_start3A_105 = tpu.memref_slice %arg7[%dma_start3A_97, %dma_start3A_98, %dma_start3A_104] : memref<2x4x128xi32, #tpu.memory_space<vmem>> -> memref<1x1x128xi32, #tpu.memory_space<vmem>>
    %dma_start3A_106 = tpu.memref_squeeze %dma_start3A_105 : memref<1x1x128xi32, #tpu.memory_space<vmem>> -> memref<128xi32, #tpu.memory_space<vmem>>
    %dma_start3A_107 = arith.constant 0 : i32
    %dma_start3A_108 = arith.constant 0 : i32
    %dma_start3A_109 = tpu.memref_slice %arg4[%dma_start3A_107, %dma_start3A_108] : memref<1000000x32xf32, #tpu.memory_space<hbm>> -> memref<1000000x32xf32, #tpu.memory_space<hbm>>
    tpu.enqueue_indirect_dma source(%dma_start3A_109 : memref<1000000x32xf32, #tpu.memory_space<hbm>>) target(%dma_start3A_103 : memref<128x32xf32, #tpu.memory_space<vmem>>) offsets(%dma_start3A_106 : memref<128xi32, #tpu.memory_space<vmem>>) semaphore(%arg13 : memref<!tpu.dma_semaphore, #tpu.memory_space<semaphore_mem>>)
    %scan3A = arith.constant 0 : i32
    %scan3A_110 = arith.constant 26 : i32
    %scan3A_111 = arith.addi %scan3A, %scan3A_110 : i32
    %scan3A_112 = arith.constant 1 : i32
    scf.for %scan3A_297 = %scan3A to %scan3A_111 step %scan3A_112  : i32 {
      %mul3A_298 = arith.constant 1 : i32
      %mul3A_299 = arith.muli %scan3A_297, %mul3A_298 : i32
      %add3A_300 = arith.constant 0 : i32
      %add3A_301 = arith.addi %add3A_300, %mul3A_299 : i32
      %rem3A_302 = arith.constant 2 : i32
      %rem3A_303 = arith.remsi %add3A_301, %rem3A_302 : i32
      %add3A_304 = arith.constant 1 : i32
      %add3A_305 = arith.addi %add3A_301, %add3A_304 : i32
      %rem3A_306 = arith.constant 2 : i32
      %rem3A_307 = arith.remsi %add3A_305, %rem3A_306 : i32
      %lt3A = arith.constant 25 : i32
      %lt3A_308 = arith.cmpi slt, %add3A_301, %lt3A : i32
      %convert_element_type3A = arith.extui %lt3A_308 : i1 to i32
      %cond3A = arith.constant 0 : i32
      %cond3A_309 = arith.cmpi ne, %convert_element_type3A, %cond3A : i32
      scf.if %cond3A_309 {
        %add3A_583 = arith.constant 1 : i32
        %add3A_584 = arith.addi %add3A_301, %add3A_583 : i32
        %mul3A_585 = arith.constant 128 : i32
        %mul3A_586 = arith.muli %add3A_584, %mul3A_585 : i32
        %mul3A_587 = arith.constant 4 : i32
        %mul3A_588 = arith.muli %add3A, %mul3A_587 : i32
        %add3A_589 = arith.addi %mul3A_586, %mul3A_588 : i32
        "tpu.region"() ({
          %run_scoped3A_678 = tpu.sem_alloc : memref<!tpu.dma_semaphore, #tpu.memory_space<semaphore_mem>>
          %dma_start3A_679 = arith.constant 0 : i32
          %dma_start3A_680 = arith.constant 0 : i32
          %dma_start3A_681 = tpu.memref_slice %arg7[%rem3A_307, %dma_start3A_679, %dma_start3A_680] : memref<2x4x128xi32, #tpu.memory_space<vmem>> -> memref<1x4x128xi32, #tpu.memory_space<vmem>>
          %dma_start3A_682 = tpu.memref_squeeze %dma_start3A_681 : memref<1x4x128xi32, #tpu.memory_space<vmem>> -> memref<4x128xi32, #tpu.memory_space<vmem>>
          %dma_start3A_683 = arith.constant 0 : i32
          %dma_start3A_684 = tpu.memref_slice %arg2[%add3A_589, %dma_start3A_683] : memref<3328x128xi32, #tpu.memory_space<hbm>> -> memref<4x128xi32, #tpu.memory_space<hbm>>
          %dma_start3A_685 = arith.constant 0 : i32
          %dma_start3A_686 = arith.constant 0 : i32
          %dma_start3A_687 = tpu.memref_slice %arg7[%rem3A_307, %dma_start3A_685, %dma_start3A_686] : memref<2x4x128xi32, #tpu.memory_space<vmem>> -> memref<1x4x128xi32, #tpu.memory_space<vmem>>
          %dma_start3A_688 = tpu.memref_squeeze %dma_start3A_687 : memref<1x4x128xi32, #tpu.memory_space<vmem>> -> memref<4x128xi32, #tpu.memory_space<vmem>>
          %dma_start3A_689 = arith.constant 0 : i32
          %dma_start3A_690 = tpu.memref_slice %arg2[%add3A_589, %dma_start3A_689] : memref<3328x128xi32, #tpu.memory_space<hbm>> -> memref<4x128xi32, #tpu.memory_space<hbm>>
          tpu.enqueue_dma source(%dma_start3A_690 : memref<4x128xi32, #tpu.memory_space<hbm>>) target(%dma_start3A_688 : memref<4x128xi32, #tpu.memory_space<vmem>>) target_semaphore(%run_scoped3A_678 : memref<!tpu.dma_semaphore, #tpu.memory_space<semaphore_mem>>)
          %dma_wait3A_691 = arith.constant 0 : i32
          %dma_wait3A_692 = arith.constant 0 : i32
          %dma_wait3A_693 = tpu.memref_slice %arg7[%rem3A_307, %dma_wait3A_691, %dma_wait3A_692] : memref<2x4x128xi32, #tpu.memory_space<vmem>> -> memref<1x4x128xi32, #tpu.memory_space<vmem>>
          %dma_wait3A_694 = tpu.memref_squeeze %dma_wait3A_693 : memref<1x4x128xi32, #tpu.memory_space<vmem>> -> memref<4x128xi32, #tpu.memory_space<vmem>>
          %dma_wait3A_695 = arith.constant 0 : i32
          %dma_wait3A_696 = tpu.memref_slice %arg2[%add3A_589, %dma_wait3A_695] : memref<3328x128xi32, #tpu.memory_space<hbm>> -> memref<4x128xi32, #tpu.memory_space<hbm>>
          %dma_wait3A_697 = arith.constant 0 : i32
          %dma_wait3A_698 = arith.constant 0 : i32
          %dma_wait3A_699 = tpu.memref_slice %arg7[%rem3A_307, %dma_wait3A_697, %dma_wait3A_698] : memref<2x4x128xi32, #tpu.memory_space<vmem>> -> memref<1x4x128xi32, #tpu.memory_space<vmem>>
          %dma_wait3A_700 = tpu.memref_squeeze %dma_wait3A_699 : memref<1x4x128xi32, #tpu.memory_space<vmem>> -> memref<4x128xi32, #tpu.memory_space<vmem>>
          %dma_wait3A_701 = arith.constant 0 : i32
          %dma_wait3A_702 = tpu.memref_slice %arg2[%add3A_589, %dma_wait3A_701] : memref<3328x128xi32, #tpu.memory_space<hbm>> -> memref<4x128xi32, #tpu.memory_space<hbm>>
          tpu.wait_dma2 semaphore(%run_scoped3A_678 : memref<!tpu.dma_semaphore, #tpu.memory_space<semaphore_mem>>) src(%dma_wait3A_702 : memref<4x128xi32, #tpu.memory_space<hbm>>) dst(%dma_wait3A_700 : memref<4x128xi32, #tpu.memory_space<vmem>>)
          tpu.yield
        }) : () -> ()
        %dma_start3A_590 = arith.constant 0 : i32
        %dma_start3A_591 = arith.constant 0 : i32
        %dma_start3A_592 = arith.constant 0 : i32
        %dma_start3A_593 = tpu.memref_slice %arg8[%rem3A_307, %dma_start3A_591, %dma_start3A_592] : memref<2x512x32xf32, #tpu.memory_space<vmem>> -> memref<1x128x32xf32, #tpu.memory_space<vmem>>
        %dma_start3A_594 = tpu.memref_squeeze %dma_start3A_593 : memref<1x128x32xf32, #tpu.memory_space<vmem>> -> memref<128x32xf32, #tpu.memory_space<vmem>>
        %dma_start3A_595 = arith.constant 0 : i32
        %dma_start3A_596 = tpu.memref_slice %arg7[%rem3A_307, %dma_start3A_590, %dma_start3A_595] : memref<2x4x128xi32, #tpu.memory_space<vmem>> -> memref<1x1x128xi32, #tpu.memory_space<vmem>>
        %dma_start3A_597 = tpu.memref_squeeze %dma_start3A_596 : memref<1x1x128xi32, #tpu.memory_space<vmem>> -> memref<128xi32, #tpu.memory_space<vmem>>
        %dma_start3A_598 = arith.constant 0 : i32
        %dma_start3A_599 = arith.constant 0 : i32
        %dma_start3A_600 = tpu.memref_slice %arg3[%dma_start3A_598, %dma_start3A_599] : memref<1000000x32xf32, #tpu.memory_space<hbm>> -> memref<1000000x32xf32, #tpu.memory_space<hbm>>
        tpu.enqueue_indirect_dma source(%dma_start3A_600 : memref<1000000x32xf32, #tpu.memory_space<hbm>>) target(%dma_start3A_594 : memref<128x32xf32, #tpu.memory_space<vmem>>) offsets(%dma_start3A_597 : memref<128xi32, #tpu.memory_space<vmem>>) semaphore(%arg12 : memref<!tpu.dma_semaphore, #tpu.memory_space<semaphore_mem>>)
        %dma_start3A_601 = arith.constant 0 : i32
        %dma_start3A_602 = arith.constant 0 : i32
        %dma_start3A_603 = arith.constant 0 : i32
        %dma_start3A_604 = tpu.memref_slice %arg9[%rem3A_307, %dma_start3A_602, %dma_start3A_603] : memref<2x512x32xf32, #tpu.memory_space<vmem>> -> memref<1x128x32xf32, #tpu.memory_space<vmem>>
        %dma_start3A_605 = tpu.memref_squeeze %dma_start3A_604 : memref<1x128x32xf32, #tpu.memory_space<vmem>> -> memref<128x32xf32, #tpu.memory_space<vmem>>
        %dma_start3A_606 = arith.constant 0 : i32
        %dma_start3A_607 = tpu.memref_slice %arg7[%rem3A_307, %dma_start3A_601, %dma_start3A_606] : memref<2x4x128xi32, #tpu.memory_space<vmem>> -> memref<1x1x128xi32, #tpu.memory_space<vmem>>
        %dma_start3A_608 = tpu.memref_squeeze %dma_start3A_607 : memref<1x1x128xi32, #tpu.memory_space<vmem>> -> memref<128xi32, #tpu.memory_space<vmem>>
        %dma_start3A_609 = arith.constant 0 : i32
        %dma_start3A_610 = arith.constant 0 : i32
        %dma_start3A_611 = tpu.memref_slice %arg4[%dma_start3A_609, %dma_start3A_610] : memref<1000000x32xf32, #tpu.memory_space<hbm>> -> memref<1000000x32xf32, #tpu.memory_space<hbm>>
        tpu.enqueue_indirect_dma source(%dma_start3A_611 : memref<1000000x32xf32, #tpu.memory_space<hbm>>) target(%dma_start3A_605 : memref<128x32xf32, #tpu.memory_space<vmem>>) offsets(%dma_start3A_608 : memref<128xi32, #tpu.memory_space<vmem>>) semaphore(%arg13 : memref<!tpu.dma_semaphore, #tpu.memory_space<semaphore_mem>>)
        %dma_start3A_612 = arith.constant 1 : i32
        %dma_start3A_613 = arith.constant 128 : i32
        %dma_start3A_614 = arith.constant 0 : i32
        %dma_start3A_615 = tpu.memref_slice %arg8[%rem3A_307, %dma_start3A_613, %dma_start3A_614] : memref<2x512x32xf32, #tpu.memory_space<vmem>> -> memref<1x128x32xf32, #tpu.memory_space<vmem>>
        %dma_start3A_616 = tpu.memref_squeeze %dma_start3A_615 : memref<1x128x32xf32, #tpu.memory_space<vmem>> -> memref<128x32xf32, #tpu.memory_space<vmem>>
        %dma_start3A_617 = arith.constant 0 : i32
        %dma_start3A_618 = tpu.memref_slice %arg7[%rem3A_307, %dma_start3A_612, %dma_start3A_617] : memref<2x4x128xi32, #tpu.memory_space<vmem>> -> memref<1x1x128xi32, #tpu.memory_space<vmem>>
        %dma_start3A_619 = tpu.memref_squeeze %dma_start3A_618 : memref<1x1x128xi32, #tpu.memory_space<vmem>> -> memref<128xi32, #tpu.memory_space<vmem>>
        %dma_start3A_620 = arith.constant 0 : i32
        %dma_start3A_621 = arith.constant 0 : i32
        %dma_start3A_622 = tpu.memref_slice %arg3[%dma_start3A_620, %dma_start3A_621] : memref<1000000x32xf32, #tpu.memory_space<hbm>> -> memref<1000000x32xf32, #tpu.memory_space<hbm>>
        tpu.enqueue_indirect_dma source(%dma_start3A_622 : memref<1000000x32xf32, #tpu.memory_space<hbm>>) target(%dma_start3A_616 : memref<128x32xf32, #tpu.memory_space<vmem>>) offsets(%dma_start3A_619 : memref<128xi32, #tpu.memory_space<vmem>>) semaphore(%arg12 : memref<!tpu.dma_semaphore, #tpu.memory_space<semaphore_mem>>)
        %dma_start3A_623 = arith.constant 1 : i32
        %dma_start3A_624 = arith.constant 128 : i32
        %dma_start3A_625 = arith.constant 0 : i32
        %dma_start3A_626 = tpu.memref_slice %arg9[%rem3A_307, %dma_start3A_624, %dma_start3A_625] : memref<2x512x32xf32, #tpu.memory_space<vmem>> -> memref<1x128x32xf32, #tpu.memory_space<vmem>>
        %dma_start3A_627 = tpu.memref_squeeze %dma_start3A_626 : memref<1x128x32xf32, #tpu.memory_space<vmem>> -> memref<128x32xf32, #tpu.memory_space<vmem>>
        %dma_start3A_628 = arith.constant 0 : i32
        %dma_start3A_629 = tpu.memref_slice %arg7[%rem3A_307, %dma_start3A_623, %dma_start3A_628] : memref<2x4x128xi32, #tpu.memory_space<vmem>> -> memref<1x1x128xi32, #tpu.memory_space<vmem>>
        %dma_start3A_630 = tpu.memref_squeeze %dma_start3A_629 : memref<1x1x128xi32, #tpu.memory_space<vmem>> -> memref<128xi32, #tpu.memory_space<vmem>>
        %dma_start3A_631 = arith.constant 0 : i32
        %dma_start3A_632 = arith.constant 0 : i32
        %dma_start3A_633 = tpu.memref_slice %arg4[%dma_start3A_631, %dma_start3A_632] : memref<1000000x32xf32, #tpu.memory_space<hbm>> -> memref<1000000x32xf32, #tpu.memory_space<hbm>>
        tpu.enqueue_indirect_dma source(%dma_start3A_633 : memref<1000000x32xf32, #tpu.memory_space<hbm>>) target(%dma_start3A_627 : memref<128x32xf32, #tpu.memory_space<vmem>>) offsets(%dma_start3A_630 : memref<128xi32, #tpu.memory_space<vmem>>) semaphore(%arg13 : memref<!tpu.dma_semaphore, #tpu.memory_space<semaphore_mem>>)
        %dma_start3A_634 = arith.constant 2 : i32
        %dma_start3A_635 = arith.constant 256 : i32
        %dma_start3A_636 = arith.constant 0 : i32
        %dma_start3A_637 = tpu.memref_slice %arg8[%rem3A_307, %dma_start3A_635, %dma_start3A_636] : memref<2x512x32xf32, #tpu.memory_space<vmem>> -> memref<1x128x32xf32, #tpu.memory_space<vmem>>
        %dma_start3A_638 = tpu.memref_squeeze %dma_start3A_637 : memref<1x128x32xf32, #tpu.memory_space<vmem>> -> memref<128x32xf32, #tpu.memory_space<vmem>>
        %dma_start3A_639 = arith.constant 0 : i32
        %dma_start3A_640 = tpu.memref_slice %arg7[%rem3A_307, %dma_start3A_634, %dma_start3A_639] : memref<2x4x128xi32, #tpu.memory_space<vmem>> -> memref<1x1x128xi32, #tpu.memory_space<vmem>>
        %dma_start3A_641 = tpu.memref_squeeze %dma_start3A_640 : memref<1x1x128xi32, #tpu.memory_space<vmem>> -> memref<128xi32, #tpu.memory_space<vmem>>
        %dma_start3A_642 = arith.constant 0 : i32
        %dma_start3A_643 = arith.constant 0 : i32
        %dma_start3A_644 = tpu.memref_slice %arg3[%dma_start3A_642, %dma_start3A_643] : memref<1000000x32xf32, #tpu.memory_space<hbm>> -> memref<1000000x32xf32, #tpu.memory_space<hbm>>
        tpu.enqueue_indirect_dma source(%dma_start3A_644 : memref<1000000x32xf32, #tpu.memory_space<hbm>>) target(%dma_start3A_638 : memref<128x32xf32, #tpu.memory_space<vmem>>) offsets(%dma_start3A_641 : memref<128xi32, #tpu.memory_space<vmem>>) semaphore(%arg12 : memref<!tpu.dma_semaphore, #tpu.memory_space<semaphore_mem>>)
        %dma_start3A_645 = arith.constant 2 : i32
        %dma_start3A_646 = arith.constant 256 : i32
        %dma_start3A_647 = arith.constant 0 : i32
        %dma_start3A_648 = tpu.memref_slice %arg9[%rem3A_307, %dma_start3A_646, %dma_start3A_647] : memref<2x512x32xf32, #tpu.memory_space<vmem>> -> memref<1x128x32xf32, #tpu.memory_space<vmem>>
        %dma_start3A_649 = tpu.memref_squeeze %dma_start3A_648 : memref<1x128x32xf32, #tpu.memory_space<vmem>> -> memref<128x32xf32, #tpu.memory_space<vmem>>
        %dma_start3A_650 = arith.constant 0 : i32
        %dma_start3A_651 = tpu.memref_slice %arg7[%rem3A_307, %dma_start3A_645, %dma_start3A_650] : memref<2x4x128xi32, #tpu.memory_space<vmem>> -> memref<1x1x128xi32, #tpu.memory_space<vmem>>
        %dma_start3A_652 = tpu.memref_squeeze %dma_start3A_651 : memref<1x1x128xi32, #tpu.memory_space<vmem>> -> memref<128xi32, #tpu.memory_space<vmem>>
        %dma_start3A_653 = arith.constant 0 : i32
        %dma_start3A_654 = arith.constant 0 : i32
        %dma_start3A_655 = tpu.memref_slice %arg4[%dma_start3A_653, %dma_start3A_654] : memref<1000000x32xf32, #tpu.memory_space<hbm>> -> memref<1000000x32xf32, #tpu.memory_space<hbm>>
        tpu.enqueue_indirect_dma source(%dma_start3A_655 : memref<1000000x32xf32, #tpu.memory_space<hbm>>) target(%dma_start3A_649 : memref<128x32xf32, #tpu.memory_space<vmem>>) offsets(%dma_start3A_652 : memref<128xi32, #tpu.memory_space<vmem>>) semaphore(%arg13 : memref<!tpu.dma_semaphore, #tpu.memory_space<semaphore_mem>>)
        %dma_start3A_656 = arith.constant 3 : i32
        %dma_start3A_657 = arith.constant 384 : i32
        %dma_start3A_658 = arith.constant 0 : i32
        %dma_start3A_659 = tpu.memref_slice %arg8[%rem3A_307, %dma_start3A_657, %dma_start3A_658] : memref<2x512x32xf32, #tpu.memory_space<vmem>> -> memref<1x128x32xf32, #tpu.memory_space<vmem>>
        %dma_start3A_660 = tpu.memref_squeeze %dma_start3A_659 : memref<1x128x32xf32, #tpu.memory_space<vmem>> -> memref<128x32xf32, #tpu.memory_space<vmem>>
        %dma_start3A_661 = arith.constant 0 : i32
        %dma_start3A_662 = tpu.memref_slice %arg7[%rem3A_307, %dma_start3A_656, %dma_start3A_661] : memref<2x4x128xi32, #tpu.memory_space<vmem>> -> memref<1x1x128xi32, #tpu.memory_space<vmem>>
        %dma_start3A_663 = tpu.memref_squeeze %dma_start3A_662 : memref<1x1x128xi32, #tpu.memory_space<vmem>> -> memref<128xi32, #tpu.memory_space<vmem>>
        %dma_start3A_664 = arith.constant 0 : i32
        %dma_start3A_665 = arith.constant 0 : i32
        %dma_start3A_666 = tpu.memref_slice %arg3[%dma_start3A_664, %dma_start3A_665] : memref<1000000x32xf32, #tpu.memory_space<hbm>> -> memref<1000000x32xf32, #tpu.memory_space<hbm>>
        tpu.enqueue_indirect_dma source(%dma_start3A_666 : memref<1000000x32xf32, #tpu.memory_space<hbm>>) target(%dma_start3A_660 : memref<128x32xf32, #tpu.memory_space<vmem>>) offsets(%dma_start3A_663 : memref<128xi32, #tpu.memory_space<vmem>>) semaphore(%arg12 : memref<!tpu.dma_semaphore, #tpu.memory_space<semaphore_mem>>)
        %dma_start3A_667 = arith.constant 3 : i32
        %dma_start3A_668 = arith.constant 384 : i32
        %dma_start3A_669 = arith.constant 0 : i32
        %dma_start3A_670 = tpu.memref_slice %arg9[%rem3A_307, %dma_start3A_668, %dma_start3A_669] : memref<2x512x32xf32, #tpu.memory_space<vmem>> -> memref<1x128x32xf32, #tpu.memory_space<vmem>>
        %dma_start3A_671 = tpu.memref_squeeze %dma_start3A_670 : memref<1x128x32xf32, #tpu.memory_space<vmem>> -> memref<128x32xf32, #tpu.memory_space<vmem>>
        %dma_start3A_672 = arith.constant 0 : i32
        %dma_start3A_673 = tpu.memref_slice %arg7[%rem3A_307, %dma_start3A_667, %dma_start3A_672] : memref<2x4x128xi32, #tpu.memory_space<vmem>> -> memref<1x1x128xi32, #tpu.memory_space<vmem>>
        %dma_start3A_674 = tpu.memref_squeeze %dma_start3A_673 : memref<1x1x128xi32, #tpu.memory_space<vmem>> -> memref<128xi32, #tpu.memory_space<vmem>>
        %dma_start3A_675 = arith.constant 0 : i32
        %dma_start3A_676 = arith.constant 0 : i32
        %dma_start3A_677 = tpu.memref_slice %arg4[%dma_start3A_675, %dma_start3A_676] : memref<1000000x32xf32, #tpu.memory_space<hbm>> -> memref<1000000x32xf32, #tpu.memory_space<hbm>>
        tpu.enqueue_indirect_dma source(%dma_start3A_677 : memref<1000000x32xf32, #tpu.memory_space<hbm>>) target(%dma_start3A_671 : memref<128x32xf32, #tpu.memory_space<vmem>>) offsets(%dma_start3A_674 : memref<128xi32, #tpu.memory_space<vmem>>) semaphore(%arg13 : memref<!tpu.dma_semaphore, #tpu.memory_space<semaphore_mem>>)
      } else {
      }
      %dma_wait3A_310 = arith.constant 0 : i32
      %dma_wait3A_311 = arith.constant 0 : i32
      %dma_wait3A_312 = arith.constant 0 : i32
      %dma_wait3A_313 = tpu.memref_slice %arg8[%rem3A_303, %dma_wait3A_311, %dma_wait3A_312] : memref<2x512x32xf32, #tpu.memory_space<vmem>> -> memref<1x128x32xf32, #tpu.memory_space<vmem>>
      %dma_wait3A_314 = tpu.memref_squeeze %dma_wait3A_313 : memref<1x128x32xf32, #tpu.memory_space<vmem>> -> memref<128x32xf32, #tpu.memory_space<vmem>>
      %dma_wait3A_315 = arith.constant 0 : i32
      %dma_wait3A_316 = tpu.memref_slice %arg7[%rem3A_303, %dma_wait3A_310, %dma_wait3A_315] : memref<2x4x128xi32, #tpu.memory_space<vmem>> -> memref<1x1x128xi32, #tpu.memory_space<vmem>>
      %dma_wait3A_317 = tpu.memref_squeeze %dma_wait3A_316 : memref<1x1x128xi32, #tpu.memory_space<vmem>> -> memref<128xi32, #tpu.memory_space<vmem>>
      %dma_wait3A_318 = arith.constant 0 : i32
      %dma_wait3A_319 = arith.constant 0 : i32
      %dma_wait3A_320 = tpu.memref_slice %arg3[%dma_wait3A_318, %dma_wait3A_319] : memref<1000000x32xf32, #tpu.memory_space<hbm>> -> memref<1000000x32xf32, #tpu.memory_space<hbm>>
      tpu.wait_indirect_dma semaphore(%arg12 : memref<!tpu.dma_semaphore, #tpu.memory_space<semaphore_mem>>) src(%dma_wait3A_320 : memref<1000000x32xf32, #tpu.memory_space<hbm>>) dst(%dma_wait3A_314 : memref<128x32xf32, #tpu.memory_space<vmem>>)
      %dma_wait3A_321 = arith.constant 0 : i32
      %dma_wait3A_322 = arith.constant 0 : i32
      %dma_wait3A_323 = arith.constant 0 : i32
      %dma_wait3A_324 = tpu.memref_slice %arg9[%rem3A_303, %dma_wait3A_322, %dma_wait3A_323] : memref<2x512x32xf32, #tpu.memory_space<vmem>> -> memref<1x128x32xf32, #tpu.memory_space<vmem>>
      %dma_wait3A_325 = tpu.memref_squeeze %dma_wait3A_324 : memref<1x128x32xf32, #tpu.memory_space<vmem>> -> memref<128x32xf32, #tpu.memory_space<vmem>>
      %dma_wait3A_326 = arith.constant 0 : i32
      %dma_wait3A_327 = tpu.memref_slice %arg7[%rem3A_303, %dma_wait3A_321, %dma_wait3A_326] : memref<2x4x128xi32, #tpu.memory_space<vmem>> -> memref<1x1x128xi32, #tpu.memory_space<vmem>>
      %dma_wait3A_328 = tpu.memref_squeeze %dma_wait3A_327 : memref<1x1x128xi32, #tpu.memory_space<vmem>> -> memref<128xi32, #tpu.memory_space<vmem>>
      %dma_wait3A_329 = arith.constant 0 : i32
      %dma_wait3A_330 = arith.constant 0 : i32
      %dma_wait3A_331 = tpu.memref_slice %arg4[%dma_wait3A_329, %dma_wait3A_330] : memref<1000000x32xf32, #tpu.memory_space<hbm>> -> memref<1000000x32xf32, #tpu.memory_space<hbm>>
      tpu.wait_indirect_dma semaphore(%arg13 : memref<!tpu.dma_semaphore, #tpu.memory_space<semaphore_mem>>) src(%dma_wait3A_331 : memref<1000000x32xf32, #tpu.memory_space<hbm>>) dst(%dma_wait3A_325 : memref<128x32xf32, #tpu.memory_space<vmem>>)
      %dma_wait3A_332 = arith.constant 1 : i32
      %dma_wait3A_333 = arith.constant 128 : i32
      %dma_wait3A_334 = arith.constant 0 : i32
      %dma_wait3A_335 = tpu.memref_slice %arg8[%rem3A_303, %dma_wait3A_333, %dma_wait3A_334] : memref<2x512x32xf32, #tpu.memory_space<vmem>> -> memref<1x128x32xf32, #tpu.memory_space<vmem>>
      %dma_wait3A_336 = tpu.memref_squeeze %dma_wait3A_335 : memref<1x128x32xf32, #tpu.memory_space<vmem>> -> memref<128x32xf32, #tpu.memory_space<vmem>>
      %dma_wait3A_337 = arith.constant 0 : i32
      %dma_wait3A_338 = tpu.memref_slice %arg7[%rem3A_303, %dma_wait3A_332, %dma_wait3A_337] : memref<2x4x128xi32, #tpu.memory_space<vmem>> -> memref<1x1x128xi32, #tpu.memory_space<vmem>>
      %dma_wait3A_339 = tpu.memref_squeeze %dma_wait3A_338 : memref<1x1x128xi32, #tpu.memory_space<vmem>> -> memref<128xi32, #tpu.memory_space<vmem>>
      %dma_wait3A_340 = arith.constant 0 : i32
      %dma_wait3A_341 = arith.constant 0 : i32
      %dma_wait3A_342 = tpu.memref_slice %arg3[%dma_wait3A_340, %dma_wait3A_341] : memref<1000000x32xf32, #tpu.memory_space<hbm>> -> memref<1000000x32xf32, #tpu.memory_space<hbm>>
      tpu.wait_indirect_dma semaphore(%arg12 : memref<!tpu.dma_semaphore, #tpu.memory_space<semaphore_mem>>) src(%dma_wait3A_342 : memref<1000000x32xf32, #tpu.memory_space<hbm>>) dst(%dma_wait3A_336 : memref<128x32xf32, #tpu.memory_space<vmem>>)
      %dma_wait3A_343 = arith.constant 1 : i32
      %dma_wait3A_344 = arith.constant 128 : i32
      %dma_wait3A_345 = arith.constant 0 : i32
      %dma_wait3A_346 = tpu.memref_slice %arg9[%rem3A_303, %dma_wait3A_344, %dma_wait3A_345] : memref<2x512x32xf32, #tpu.memory_space<vmem>> -> memref<1x128x32xf32, #tpu.memory_space<vmem>>
      %dma_wait3A_347 = tpu.memref_squeeze %dma_wait3A_346 : memref<1x128x32xf32, #tpu.memory_space<vmem>> -> memref<128x32xf32, #tpu.memory_space<vmem>>
      %dma_wait3A_348 = arith.constant 0 : i32
      %dma_wait3A_349 = tpu.memref_slice %arg7[%rem3A_303, %dma_wait3A_343, %dma_wait3A_348] : memref<2x4x128xi32, #tpu.memory_space<vmem>> -> memref<1x1x128xi32, #tpu.memory_space<vmem>>
      %dma_wait3A_350 = tpu.memref_squeeze %dma_wait3A_349 : memref<1x1x128xi32, #tpu.memory_space<vmem>> -> memref<128xi32, #tpu.memory_space<vmem>>
      %dma_wait3A_351 = arith.constant 0 : i32
      %dma_wait3A_352 = arith.constant 0 : i32
      %dma_wait3A_353 = tpu.memref_slice %arg4[%dma_wait3A_351, %dma_wait3A_352] : memref<1000000x32xf32, #tpu.memory_space<hbm>> -> memref<1000000x32xf32, #tpu.memory_space<hbm>>
      tpu.wait_indirect_dma semaphore(%arg13 : memref<!tpu.dma_semaphore, #tpu.memory_space<semaphore_mem>>) src(%dma_wait3A_353 : memref<1000000x32xf32, #tpu.memory_space<hbm>>) dst(%dma_wait3A_347 : memref<128x32xf32, #tpu.memory_space<vmem>>)
      %dma_wait3A_354 = arith.constant 2 : i32
      %dma_wait3A_355 = arith.constant 256 : i32
      %dma_wait3A_356 = arith.constant 0 : i32
      %dma_wait3A_357 = tpu.memref_slice %arg8[%rem3A_303, %dma_wait3A_355, %dma_wait3A_356] : memref<2x512x32xf32, #tpu.memory_space<vmem>> -> memref<1x128x32xf32, #tpu.memory_space<vmem>>
      %dma_wait3A_358 = tpu.memref_squeeze %dma_wait3A_357 : memref<1x128x32xf32, #tpu.memory_space<vmem>> -> memref<128x32xf32, #tpu.memory_space<vmem>>
      %dma_wait3A_359 = arith.constant 0 : i32
      %dma_wait3A_360 = tpu.memref_slice %arg7[%rem3A_303, %dma_wait3A_354, %dma_wait3A_359] : memref<2x4x128xi32, #tpu.memory_space<vmem>> -> memref<1x1x128xi32, #tpu.memory_space<vmem>>
      %dma_wait3A_361 = tpu.memref_squeeze %dma_wait3A_360 : memref<1x1x128xi32, #tpu.memory_space<vmem>> -> memref<128xi32, #tpu.memory_space<vmem>>
      %dma_wait3A_362 = arith.constant 0 : i32
      %dma_wait3A_363 = arith.constant 0 : i32
      %dma_wait3A_364 = tpu.memref_slice %arg3[%dma_wait3A_362, %dma_wait3A_363] : memref<1000000x32xf32, #tpu.memory_space<hbm>> -> memref<1000000x32xf32, #tpu.memory_space<hbm>>
      tpu.wait_indirect_dma semaphore(%arg12 : memref<!tpu.dma_semaphore, #tpu.memory_space<semaphore_mem>>) src(%dma_wait3A_364 : memref<1000000x32xf32, #tpu.memory_space<hbm>>) dst(%dma_wait3A_358 : memref<128x32xf32, #tpu.memory_space<vmem>>)
      %dma_wait3A_365 = arith.constant 2 : i32
      %dma_wait3A_366 = arith.constant 256 : i32
      %dma_wait3A_367 = arith.constant 0 : i32
      %dma_wait3A_368 = tpu.memref_slice %arg9[%rem3A_303, %dma_wait3A_366, %dma_wait3A_367] : memref<2x512x32xf32, #tpu.memory_space<vmem>> -> memref<1x128x32xf32, #tpu.memory_space<vmem>>
      %dma_wait3A_369 = tpu.memref_squeeze %dma_wait3A_368 : memref<1x128x32xf32, #tpu.memory_space<vmem>> -> memref<128x32xf32, #tpu.memory_space<vmem>>
      %dma_wait3A_370 = arith.constant 0 : i32
      %dma_wait3A_371 = tpu.memref_slice %arg7[%rem3A_303, %dma_wait3A_365, %dma_wait3A_370] : memref<2x4x128xi32, #tpu.memory_space<vmem>> -> memref<1x1x128xi32, #tpu.memory_space<vmem>>
      %dma_wait3A_372 = tpu.memref_squeeze %dma_wait3A_371 : memref<1x1x128xi32, #tpu.memory_space<vmem>> -> memref<128xi32, #tpu.memory_space<vmem>>
      %dma_wait3A_373 = arith.constant 0 : i32
      %dma_wait3A_374 = arith.constant 0 : i32
      %dma_wait3A_375 = tpu.memref_slice %arg4[%dma_wait3A_373, %dma_wait3A_374] : memref<1000000x32xf32, #tpu.memory_space<hbm>> -> memref<1000000x32xf32, #tpu.memory_space<hbm>>
      tpu.wait_indirect_dma semaphore(%arg13 : memref<!tpu.dma_semaphore, #tpu.memory_space<semaphore_mem>>) src(%dma_wait3A_375 : memref<1000000x32xf32, #tpu.memory_space<hbm>>) dst(%dma_wait3A_369 : memref<128x32xf32, #tpu.memory_space<vmem>>)
      %dma_wait3A_376 = arith.constant 3 : i32
      %dma_wait3A_377 = arith.constant 384 : i32
      %dma_wait3A_378 = arith.constant 0 : i32
      %dma_wait3A_379 = tpu.memref_slice %arg8[%rem3A_303, %dma_wait3A_377, %dma_wait3A_378] : memref<2x512x32xf32, #tpu.memory_space<vmem>> -> memref<1x128x32xf32, #tpu.memory_space<vmem>>
      %dma_wait3A_380 = tpu.memref_squeeze %dma_wait3A_379 : memref<1x128x32xf32, #tpu.memory_space<vmem>> -> memref<128x32xf32, #tpu.memory_space<vmem>>
      %dma_wait3A_381 = arith.constant 0 : i32
      %dma_wait3A_382 = tpu.memref_slice %arg7[%rem3A_303, %dma_wait3A_376, %dma_wait3A_381] : memref<2x4x128xi32, #tpu.memory_space<vmem>> -> memref<1x1x128xi32, #tpu.memory_space<vmem>>
      %dma_wait3A_383 = tpu.memref_squeeze %dma_wait3A_382 : memref<1x1x128xi32, #tpu.memory_space<vmem>> -> memref<128xi32, #tpu.memory_space<vmem>>
      %dma_wait3A_384 = arith.constant 0 : i32
      %dma_wait3A_385 = arith.constant 0 : i32
      %dma_wait3A_386 = tpu.memref_slice %arg3[%dma_wait3A_384, %dma_wait3A_385] : memref<1000000x32xf32, #tpu.memory_space<hbm>> -> memref<1000000x32xf32, #tpu.memory_space<hbm>>
      tpu.wait_indirect_dma semaphore(%arg12 : memref<!tpu.dma_semaphore, #tpu.memory_space<semaphore_mem>>) src(%dma_wait3A_386 : memref<1000000x32xf32, #tpu.memory_space<hbm>>) dst(%dma_wait3A_380 : memref<128x32xf32, #tpu.memory_space<vmem>>)
      %dma_wait3A_387 = arith.constant 3 : i32
      %dma_wait3A_388 = arith.constant 384 : i32
      %dma_wait3A_389 = arith.constant 0 : i32
      %dma_wait3A_390 = tpu.memref_slice %arg9[%rem3A_303, %dma_wait3A_388, %dma_wait3A_389] : memref<2x512x32xf32, #tpu.memory_space<vmem>> -> memref<1x128x32xf32, #tpu.memory_space<vmem>>
      %dma_wait3A_391 = tpu.memref_squeeze %dma_wait3A_390 : memref<1x128x32xf32, #tpu.memory_space<vmem>> -> memref<128x32xf32, #tpu.memory_space<vmem>>
      %dma_wait3A_392 = arith.constant 0 : i32
      %dma_wait3A_393 = tpu.memref_slice %arg7[%rem3A_303, %dma_wait3A_387, %dma_wait3A_392] : memref<2x4x128xi32, #tpu.memory_space<vmem>> -> memref<1x1x128xi32, #tpu.memory_space<vmem>>
      %dma_wait3A_394 = tpu.memref_squeeze %dma_wait3A_393 : memref<1x1x128xi32, #tpu.memory_space<vmem>> -> memref<128xi32, #tpu.memory_space<vmem>>
      %dma_wait3A_395 = arith.constant 0 : i32
      %dma_wait3A_396 = arith.constant 0 : i32
      %dma_wait3A_397 = tpu.memref_slice %arg4[%dma_wait3A_395, %dma_wait3A_396] : memref<1000000x32xf32, #tpu.memory_space<hbm>> -> memref<1000000x32xf32, #tpu.memory_space<hbm>>
      tpu.wait_indirect_dma semaphore(%arg13 : memref<!tpu.dma_semaphore, #tpu.memory_space<semaphore_mem>>) src(%dma_wait3A_397 : memref<1000000x32xf32, #tpu.memory_space<hbm>>) dst(%dma_wait3A_391 : memref<128x32xf32, #tpu.memory_space<vmem>>)
      %gt3A = arith.constant 0 : i32
      %gt3A_398 = arith.cmpi sgt, %add3A_301, %gt3A : i32
      %convert_element_type3A_399 = arith.extui %gt3A_398 : i1 to i32
      %cond3A_400 = arith.constant 0 : i32
      %cond3A_401 = arith.cmpi ne, %convert_element_type3A_399, %cond3A_400 : i32
      scf.if %cond3A_401 {
        %sub3A = arith.constant 1 : i32
        %sub3A_583 = arith.subi %add3A_301, %sub3A : i32
        %mul3A_584 = arith.constant 4 : i32
        %mul3A_585 = arith.muli %add3A, %mul3A_584 : i32
        %dma_wait3A_586 = arith.constant 0 : i32
        %dma_wait3A_587 = arith.constant 0 : i32
        %dma_wait3A_588 = arith.constant 0 : i32
        %dma_wait3A_589 = arith.constant 0 : i32
        %dma_wait3A_590 = arith.constant 0 : i32
        %dma_wait3A_591 = tpu.memref_slice %arg10[%dma_wait3A_586, %dma_wait3A_588, %dma_wait3A_589, %dma_wait3A_590] : memref<4x4x8x129xf32, #tpu.memory_space<vmem>> -> memref<1x4x8x128xf32, #tpu.memory_space<vmem>>
        %dma_wait3A_592 = tpu.memref_squeeze %dma_wait3A_591 : memref<1x4x8x128xf32, #tpu.memory_space<vmem>> -> memref<4x8x128xf32, #tpu.memory_space<vmem>>
        %dma_wait3A_593 = arith.constant 0 : i32
        %dma_wait3A_594 = arith.constant 0 : i32
        %dma_wait3A_595 = tpu.memref_slice %arg5[%sub3A_583, %dma_wait3A_587, %mul3A_585, %dma_wait3A_593, %dma_wait3A_594] : memref<26x4x128x8x128xf32, #tpu.memory_space<hbm>> -> memref<1x1x4x8x128xf32, #tpu.memory_space<hbm>>
        %dma_wait3A_596 = tpu.memref_squeeze %dma_wait3A_595 : memref<1x1x4x8x128xf32, #tpu.memory_space<hbm>> -> memref<4x8x128xf32, #tpu.memory_space<hbm>>
        %dma_wait3A_597 = arith.constant 0 : i32
        %dma_wait3A_598 = arith.constant 0 : i32
        %dma_wait3A_599 = tpu.memref_slice %arg5[%sub3A_583, %dma_wait3A_587, %mul3A_585, %dma_wait3A_597, %dma_wait3A_598] : memref<26x4x128x8x128xf32, #tpu.memory_space<hbm>> -> memref<1x1x4x8x128xf32, #tpu.memory_space<hbm>>
        %dma_wait3A_600 = tpu.memref_squeeze %dma_wait3A_599 : memref<1x1x4x8x128xf32, #tpu.memory_space<hbm>> -> memref<4x8x128xf32, #tpu.memory_space<hbm>>
        %dma_wait3A_601 = arith.constant 0 : i32
        %dma_wait3A_602 = arith.constant 0 : i32
        %dma_wait3A_603 = arith.constant 0 : i32
        %dma_wait3A_604 = tpu.memref_slice %arg10[%dma_wait3A_586, %dma_wait3A_601, %dma_wait3A_602, %dma_wait3A_603] : memref<4x4x8x129xf32, #tpu.memory_space<vmem>> -> memref<1x4x8x128xf32, #tpu.memory_space<vmem>>
        %dma_wait3A_605 = tpu.memref_squeeze %dma_wait3A_604 : memref<1x4x8x128xf32, #tpu.memory_space<vmem>> -> memref<4x8x128xf32, #tpu.memory_space<vmem>>
        tpu.wait_dma2 semaphore(%arg14 : memref<!tpu.dma_semaphore, #tpu.memory_space<semaphore_mem>>) src(%dma_wait3A_605 : memref<4x8x128xf32, #tpu.memory_space<vmem>>) dst(%dma_wait3A_600 : memref<4x8x128xf32, #tpu.memory_space<hbm>>)
        %mul3A_606 = arith.constant 4 : i32
        %mul3A_607 = arith.muli %add3A, %mul3A_606 : i32
        %dma_wait3A_608 = arith.constant 0 : i32
        %dma_wait3A_609 = arith.constant 0 : i32
        %dma_wait3A_610 = arith.constant 0 : i32
        %dma_wait3A_611 = arith.constant 0 : i32
        %dma_wait3A_612 = arith.constant 0 : i32
        %dma_wait3A_613 = tpu.memref_slice %arg11[%dma_wait3A_608, %dma_wait3A_610, %dma_wait3A_611, %dma_wait3A_612] : memref<4x4x8x129xf32, #tpu.memory_space<vmem>> -> memref<1x4x8x128xf32, #tpu.memory_space<vmem>>
        %dma_wait3A_614 = tpu.memref_squeeze %dma_wait3A_613 : memref<1x4x8x128xf32, #tpu.memory_space<vmem>> -> memref<4x8x128xf32, #tpu.memory_space<vmem>>
        %dma_wait3A_615 = arith.constant 0 : i32
        %dma_wait3A_616 = arith.constant 0 : i32
        %dma_wait3A_617 = tpu.memref_slice %arg6[%sub3A_583, %dma_wait3A_609, %mul3A_607, %dma_wait3A_615, %dma_wait3A_616] : memref<26x4x128x8x128xf32, #tpu.memory_space<hbm>> -> memref<1x1x4x8x128xf32, #tpu.memory_space<hbm>>
        %dma_wait3A_618 = tpu.memref_squeeze %dma_wait3A_617 : memref<1x1x4x8x128xf32, #tpu.memory_space<hbm>> -> memref<4x8x128xf32, #tpu.memory_space<hbm>>
        %dma_wait3A_619 = arith.constant 0 : i32
        %dma_wait3A_620 = arith.constant 0 : i32
        %dma_wait3A_621 = tpu.memref_slice %arg6[%sub3A_583, %dma_wait3A_609, %mul3A_607, %dma_wait3A_619, %dma_wait3A_620] : memref<26x4x128x8x128xf32, #tpu.memory_space<hbm>> -> memref<1x1x4x8x128xf32, #tpu.memory_space<hbm>>
        %dma_wait3A_622 = tpu.memref_squeeze %dma_wait3A_621 : memref<1x1x4x8x128xf32, #tpu.memory_space<hbm>> -> memref<4x8x128xf32, #tpu.memory_space<hbm>>
        %dma_wait3A_623 = arith.constant 0 : i32
        %dma_wait3A_624 = arith.constant 0 : i32
        %dma_wait3A_625 = arith.constant 0 : i32
        %dma_wait3A_626 = tpu.memref_slice %arg11[%dma_wait3A_608, %dma_wait3A_623, %dma_wait3A_624, %dma_wait3A_625] : memref<4x4x8x129xf32, #tpu.memory_space<vmem>> -> memref<1x4x8x128xf32, #tpu.memory_space<vmem>>
        %dma_wait3A_627 = tpu.memref_squeeze %dma_wait3A_626 : memref<1x4x8x128xf32, #tpu.memory_space<vmem>> -> memref<4x8x128xf32, #tpu.memory_space<vmem>>
        tpu.wait_dma2 semaphore(%arg14 : memref<!tpu.dma_semaphore, #tpu.memory_space<semaphore_mem>>) src(%dma_wait3A_627 : memref<4x8x128xf32, #tpu.memory_space<vmem>>) dst(%dma_wait3A_622 : memref<4x8x128xf32, #tpu.memory_space<hbm>>)
        %mul3A_628 = arith.constant 4 : i32
        %mul3A_629 = arith.muli %add3A, %mul3A_628 : i32
        %dma_wait3A_630 = arith.constant 1 : i32
        %dma_wait3A_631 = arith.constant 1 : i32
        %dma_wait3A_632 = arith.constant 0 : i32
        %dma_wait3A_633 = arith.constant 0 : i32
        %dma_wait3A_634 = arith.constant 0 : i32
        %dma_wait3A_635 = tpu.memref_slice %arg10[%dma_wait3A_630, %dma_wait3A_632, %dma_wait3A_633, %dma_wait3A_634] : memref<4x4x8x129xf32, #tpu.memory_space<vmem>> -> memref<1x4x8x128xf32, #tpu.memory_space<vmem>>
        %dma_wait3A_636 = tpu.memref_squeeze %dma_wait3A_635 : memref<1x4x8x128xf32, #tpu.memory_space<vmem>> -> memref<4x8x128xf32, #tpu.memory_space<vmem>>
        %dma_wait3A_637 = arith.constant 0 : i32
        %dma_wait3A_638 = arith.constant 0 : i32
        %dma_wait3A_639 = tpu.memref_slice %arg5[%sub3A_583, %dma_wait3A_631, %mul3A_629, %dma_wait3A_637, %dma_wait3A_638] : memref<26x4x128x8x128xf32, #tpu.memory_space<hbm>> -> memref<1x1x4x8x128xf32, #tpu.memory_space<hbm>>
        %dma_wait3A_640 = tpu.memref_squeeze %dma_wait3A_639 : memref<1x1x4x8x128xf32, #tpu.memory_space<hbm>> -> memref<4x8x128xf32, #tpu.memory_space<hbm>>
        %dma_wait3A_641 = arith.constant 0 : i32
        %dma_wait3A_642 = arith.constant 0 : i32
        %dma_wait3A_643 = tpu.memref_slice %arg5[%sub3A_583, %dma_wait3A_631, %mul3A_629, %dma_wait3A_641, %dma_wait3A_642] : memref<26x4x128x8x128xf32, #tpu.memory_space<hbm>> -> memref<1x1x4x8x128xf32, #tpu.memory_space<hbm>>
        %dma_wait3A_644 = tpu.memref_squeeze %dma_wait3A_643 : memref<1x1x4x8x128xf32, #tpu.memory_space<hbm>> -> memref<4x8x128xf32, #tpu.memory_space<hbm>>
        %dma_wait3A_645 = arith.constant 0 : i32
        %dma_wait3A_646 = arith.constant 0 : i32
        %dma_wait3A_647 = arith.constant 0 : i32
        %dma_wait3A_648 = tpu.memref_slice %arg10[%dma_wait3A_630, %dma_wait3A_645, %dma_wait3A_646, %dma_wait3A_647] : memref<4x4x8x129xf32, #tpu.memory_space<vmem>> -> memref<1x4x8x128xf32, #tpu.memory_space<vmem>>
        %dma_wait3A_649 = tpu.memref_squeeze %dma_wait3A_648 : memref<1x4x8x128xf32, #tpu.memory_space<vmem>> -> memref<4x8x128xf32, #tpu.memory_space<vmem>>
        tpu.wait_dma2 semaphore(%arg14 : memref<!tpu.dma_semaphore, #tpu.memory_space<semaphore_mem>>) src(%dma_wait3A_649 : memref<4x8x128xf32, #tpu.memory_space<vmem>>) dst(%dma_wait3A_644 : memref<4x8x128xf32, #tpu.memory_space<hbm>>)
        %mul3A_650 = arith.constant 4 : i32
        %mul3A_651 = arith.muli %add3A, %mul3A_650 : i32
        %dma_wait3A_652 = arith.constant 1 : i32
        %dma_wait3A_653 = arith.constant 1 : i32
        %dma_wait3A_654 = arith.constant 0 : i32
        %dma_wait3A_655 = arith.constant 0 : i32
        %dma_wait3A_656 = arith.constant 0 : i32
        %dma_wait3A_657 = tpu.memref_slice %arg11[%dma_wait3A_652, %dma_wait3A_654, %dma_wait3A_655, %dma_wait3A_656] : memref<4x4x8x129xf32, #tpu.memory_space<vmem>> -> memref<1x4x8x128xf32, #tpu.memory_space<vmem>>
        %dma_wait3A_658 = tpu.memref_squeeze %dma_wait3A_657 : memref<1x4x8x128xf32, #tpu.memory_space<vmem>> -> memref<4x8x128xf32, #tpu.memory_space<vmem>>
        %dma_wait3A_659 = arith.constant 0 : i32
        %dma_wait3A_660 = arith.constant 0 : i32
        %dma_wait3A_661 = tpu.memref_slice %arg6[%sub3A_583, %dma_wait3A_653, %mul3A_651, %dma_wait3A_659, %dma_wait3A_660] : memref<26x4x128x8x128xf32, #tpu.memory_space<hbm>> -> memref<1x1x4x8x128xf32, #tpu.memory_space<hbm>>
        %dma_wait3A_662 = tpu.memref_squeeze %dma_wait3A_661 : memref<1x1x4x8x128xf32, #tpu.memory_space<hbm>> -> memref<4x8x128xf32, #tpu.memory_space<hbm>>
        %dma_wait3A_663 = arith.constant 0 : i32
        %dma_wait3A_664 = arith.constant 0 : i32
        %dma_wait3A_665 = tpu.memref_slice %arg6[%sub3A_583, %dma_wait3A_653, %mul3A_651, %dma_wait3A_663, %dma_wait3A_664] : memref<26x4x128x8x128xf32, #tpu.memory_space<hbm>> -> memref<1x1x4x8x128xf32, #tpu.memory_space<hbm>>
        %dma_wait3A_666 = tpu.memref_squeeze %dma_wait3A_665 : memref<1x1x4x8x128xf32, #tpu.memory_space<hbm>> -> memref<4x8x128xf32, #tpu.memory_space<hbm>>
        %dma_wait3A_667 = arith.constant 0 : i32
        %dma_wait3A_668 = arith.constant 0 : i32
        %dma_wait3A_669 = arith.constant 0 : i32
        %dma_wait3A_670 = tpu.memref_slice %arg11[%dma_wait3A_652, %dma_wait3A_667, %dma_wait3A_668, %dma_wait3A_669] : memref<4x4x8x129xf32, #tpu.memory_space<vmem>> -> memref<1x4x8x128xf32, #tpu.memory_space<vmem>>
        %dma_wait3A_671 = tpu.memref_squeeze %dma_wait3A_670 : memref<1x4x8x128xf32, #tpu.memory_space<vmem>> -> memref<4x8x128xf32, #tpu.memory_space<vmem>>
        tpu.wait_dma2 semaphore(%arg14 : memref<!tpu.dma_semaphore, #tpu.memory_space<semaphore_mem>>) src(%dma_wait3A_671 : memref<4x8x128xf32, #tpu.memory_space<vmem>>) dst(%dma_wait3A_666 : memref<4x8x128xf32, #tpu.memory_space<hbm>>)
        %mul3A_672 = arith.constant 4 : i32
        %mul3A_673 = arith.muli %add3A, %mul3A_672 : i32
        %dma_wait3A_674 = arith.constant 2 : i32
        %dma_wait3A_675 = arith.constant 2 : i32
        %dma_wait3A_676 = arith.constant 0 : i32
        %dma_wait3A_677 = arith.constant 0 : i32
        %dma_wait3A_678 = arith.constant 0 : i32
        %dma_wait3A_679 = tpu.memref_slice %arg10[%dma_wait3A_674, %dma_wait3A_676, %dma_wait3A_677, %dma_wait3A_678] : memref<4x4x8x129xf32, #tpu.memory_space<vmem>> -> memref<1x4x8x128xf32, #tpu.memory_space<vmem>>
        %dma_wait3A_680 = tpu.memref_squeeze %dma_wait3A_679 : memref<1x4x8x128xf32, #tpu.memory_space<vmem>> -> memref<4x8x128xf32, #tpu.memory_space<vmem>>
        %dma_wait3A_681 = arith.constant 0 : i32
        %dma_wait3A_682 = arith.constant 0 : i32
        %dma_wait3A_683 = tpu.memref_slice %arg5[%sub3A_583, %dma_wait3A_675, %mul3A_673, %dma_wait3A_681, %dma_wait3A_682] : memref<26x4x128x8x128xf32, #tpu.memory_space<hbm>> -> memref<1x1x4x8x128xf32, #tpu.memory_space<hbm>>
        %dma_wait3A_684 = tpu.memref_squeeze %dma_wait3A_683 : memref<1x1x4x8x128xf32, #tpu.memory_space<hbm>> -> memref<4x8x128xf32, #tpu.memory_space<hbm>>
        %dma_wait3A_685 = arith.constant 0 : i32
        %dma_wait3A_686 = arith.constant 0 : i32
        %dma_wait3A_687 = tpu.memref_slice %arg5[%sub3A_583, %dma_wait3A_675, %mul3A_673, %dma_wait3A_685, %dma_wait3A_686] : memref<26x4x128x8x128xf32, #tpu.memory_space<hbm>> -> memref<1x1x4x8x128xf32, #tpu.memory_space<hbm>>
        %dma_wait3A_688 = tpu.memref_squeeze %dma_wait3A_687 : memref<1x1x4x8x128xf32, #tpu.memory_space<hbm>> -> memref<4x8x128xf32, #tpu.memory_space<hbm>>
        %dma_wait3A_689 = arith.constant 0 : i32
        %dma_wait3A_690 = arith.constant 0 : i32
        %dma_wait3A_691 = arith.constant 0 : i32
        %dma_wait3A_692 = tpu.memref_slice %arg10[%dma_wait3A_674, %dma_wait3A_689, %dma_wait3A_690, %dma_wait3A_691] : memref<4x4x8x129xf32, #tpu.memory_space<vmem>> -> memref<1x4x8x128xf32, #tpu.memory_space<vmem>>
        %dma_wait3A_693 = tpu.memref_squeeze %dma_wait3A_692 : memref<1x4x8x128xf32, #tpu.memory_space<vmem>> -> memref<4x8x128xf32, #tpu.memory_space<vmem>>
        tpu.wait_dma2 semaphore(%arg14 : memref<!tpu.dma_semaphore, #tpu.memory_space<semaphore_mem>>) src(%dma_wait3A_693 : memref<4x8x128xf32, #tpu.memory_space<vmem>>) dst(%dma_wait3A_688 : memref<4x8x128xf32, #tpu.memory_space<hbm>>)
        %mul3A_694 = arith.constant 4 : i32
        %mul3A_695 = arith.muli %add3A, %mul3A_694 : i32
        %dma_wait3A_696 = arith.constant 2 : i32
        %dma_wait3A_697 = arith.constant 2 : i32
        %dma_wait3A_698 = arith.constant 0 : i32
        %dma_wait3A_699 = arith.constant 0 : i32
        %dma_wait3A_700 = arith.constant 0 : i32
        %dma_wait3A_701 = tpu.memref_slice %arg11[%dma_wait3A_696, %dma_wait3A_698, %dma_wait3A_699, %dma_wait3A_700] : memref<4x4x8x129xf32, #tpu.memory_space<vmem>> -> memref<1x4x8x128xf32, #tpu.memory_space<vmem>>
        %dma_wait3A_702 = tpu.memref_squeeze %dma_wait3A_701 : memref<1x4x8x128xf32, #tpu.memory_space<vmem>> -> memref<4x8x128xf32, #tpu.memory_space<vmem>>
        %dma_wait3A_703 = arith.constant 0 : i32
        %dma_wait3A_704 = arith.constant 0 : i32
        %dma_wait3A_705 = tpu.memref_slice %arg6[%sub3A_583, %dma_wait3A_697, %mul3A_695, %dma_wait3A_703, %dma_wait3A_704] : memref<26x4x128x8x128xf32, #tpu.memory_space<hbm>> -> memref<1x1x4x8x128xf32, #tpu.memory_space<hbm>>
        %dma_wait3A_706 = tpu.memref_squeeze %dma_wait3A_705 : memref<1x1x4x8x128xf32, #tpu.memory_space<hbm>> -> memref<4x8x128xf32, #tpu.memory_space<hbm>>
        %dma_wait3A_707 = arith.constant 0 : i32
        %dma_wait3A_708 = arith.constant 0 : i32
        %dma_wait3A_709 = tpu.memref_slice %arg6[%sub3A_583, %dma_wait3A_697, %mul3A_695, %dma_wait3A_707, %dma_wait3A_708] : memref<26x4x128x8x128xf32, #tpu.memory_space<hbm>> -> memref<1x1x4x8x128xf32, #tpu.memory_space<hbm>>
        %dma_wait3A_710 = tpu.memref_squeeze %dma_wait3A_709 : memref<1x1x4x8x128xf32, #tpu.memory_space<hbm>> -> memref<4x8x128xf32, #tpu.memory_space<hbm>>
        %dma_wait3A_711 = arith.constant 0 : i32
        %dma_wait3A_712 = arith.constant 0 : i32
        %dma_wait3A_713 = arith.constant 0 : i32
        %dma_wait3A_714 = tpu.memref_slice %arg11[%dma_wait3A_696, %dma_wait3A_711, %dma_wait3A_712, %dma_wait3A_713] : memref<4x4x8x129xf32, #tpu.memory_space<vmem>> -> memref<1x4x8x128xf32, #tpu.memory_space<vmem>>
        %dma_wait3A_715 = tpu.memref_squeeze %dma_wait3A_714 : memref<1x4x8x128xf32, #tpu.memory_space<vmem>> -> memref<4x8x128xf32, #tpu.memory_space<vmem>>
        tpu.wait_dma2 semaphore(%arg14 : memref<!tpu.dma_semaphore, #tpu.memory_space<semaphore_mem>>) src(%dma_wait3A_715 : memref<4x8x128xf32, #tpu.memory_space<vmem>>) dst(%dma_wait3A_710 : memref<4x8x128xf32, #tpu.memory_space<hbm>>)
        %mul3A_716 = arith.constant 4 : i32
        %mul3A_717 = arith.muli %add3A, %mul3A_716 : i32
        %dma_wait3A_718 = arith.constant 3 : i32
        %dma_wait3A_719 = arith.constant 3 : i32
        %dma_wait3A_720 = arith.constant 0 : i32
        %dma_wait3A_721 = arith.constant 0 : i32
        %dma_wait3A_722 = arith.constant 0 : i32
        %dma_wait3A_723 = tpu.memref_slice %arg10[%dma_wait3A_718, %dma_wait3A_720, %dma_wait3A_721, %dma_wait3A_722] : memref<4x4x8x129xf32, #tpu.memory_space<vmem>> -> memref<1x4x8x128xf32, #tpu.memory_space<vmem>>
        %dma_wait3A_724 = tpu.memref_squeeze %dma_wait3A_723 : memref<1x4x8x128xf32, #tpu.memory_space<vmem>> -> memref<4x8x128xf32, #tpu.memory_space<vmem>>
        %dma_wait3A_725 = arith.constant 0 : i32
        %dma_wait3A_726 = arith.constant 0 : i32
        %dma_wait3A_727 = tpu.memref_slice %arg5[%sub3A_583, %dma_wait3A_719, %mul3A_717, %dma_wait3A_725, %dma_wait3A_726] : memref<26x4x128x8x128xf32, #tpu.memory_space<hbm>> -> memref<1x1x4x8x128xf32, #tpu.memory_space<hbm>>
        %dma_wait3A_728 = tpu.memref_squeeze %dma_wait3A_727 : memref<1x1x4x8x128xf32, #tpu.memory_space<hbm>> -> memref<4x8x128xf32, #tpu.memory_space<hbm>>
        %dma_wait3A_729 = arith.constant 0 : i32
        %dma_wait3A_730 = arith.constant 0 : i32
        %dma_wait3A_731 = tpu.memref_slice %arg5[%sub3A_583, %dma_wait3A_719, %mul3A_717, %dma_wait3A_729, %dma_wait3A_730] : memref<26x4x128x8x128xf32, #tpu.memory_space<hbm>> -> memref<1x1x4x8x128xf32, #tpu.memory_space<hbm>>
        %dma_wait3A_732 = tpu.memref_squeeze %dma_wait3A_731 : memref<1x1x4x8x128xf32, #tpu.memory_space<hbm>> -> memref<4x8x128xf32, #tpu.memory_space<hbm>>
        %dma_wait3A_733 = arith.constant 0 : i32
        %dma_wait3A_734 = arith.constant 0 : i32
        %dma_wait3A_735 = arith.constant 0 : i32
        %dma_wait3A_736 = tpu.memref_slice %arg10[%dma_wait3A_718, %dma_wait3A_733, %dma_wait3A_734, %dma_wait3A_735] : memref<4x4x8x129xf32, #tpu.memory_space<vmem>> -> memref<1x4x8x128xf32, #tpu.memory_space<vmem>>
        %dma_wait3A_737 = tpu.memref_squeeze %dma_wait3A_736 : memref<1x4x8x128xf32, #tpu.memory_space<vmem>> -> memref<4x8x128xf32, #tpu.memory_space<vmem>>
        tpu.wait_dma2 semaphore(%arg14 : memref<!tpu.dma_semaphore, #tpu.memory_space<semaphore_mem>>) src(%dma_wait3A_737 : memref<4x8x128xf32, #tpu.memory_space<vmem>>) dst(%dma_wait3A_732 : memref<4x8x128xf32, #tpu.memory_space<hbm>>)
        %mul3A_738 = arith.constant 4 : i32
        %mul3A_739 = arith.muli %add3A, %mul3A_738 : i32
        %dma_wait3A_740 = arith.constant 3 : i32
        %dma_wait3A_741 = arith.constant 3 : i32
        %dma_wait3A_742 = arith.constant 0 : i32
        %dma_wait3A_743 = arith.constant 0 : i32
        %dma_wait3A_744 = arith.constant 0 : i32
        %dma_wait3A_745 = tpu.memref_slice %arg11[%dma_wait3A_740, %dma_wait3A_742, %dma_wait3A_743, %dma_wait3A_744] : memref<4x4x8x129xf32, #tpu.memory_space<vmem>> -> memref<1x4x8x128xf32, #tpu.memory_space<vmem>>
        %dma_wait3A_746 = tpu.memref_squeeze %dma_wait3A_745 : memref<1x4x8x128xf32, #tpu.memory_space<vmem>> -> memref<4x8x128xf32, #tpu.memory_space<vmem>>
        %dma_wait3A_747 = arith.constant 0 : i32
        %dma_wait3A_748 = arith.constant 0 : i32
        %dma_wait3A_749 = tpu.memref_slice %arg6[%sub3A_583, %dma_wait3A_741, %mul3A_739, %dma_wait3A_747, %dma_wait3A_748] : memref<26x4x128x8x128xf32, #tpu.memory_space<hbm>> -> memref<1x1x4x8x128xf32, #tpu.memory_space<hbm>>
        %dma_wait3A_750 = tpu.memref_squeeze %dma_wait3A_749 : memref<1x1x4x8x128xf32, #tpu.memory_space<hbm>> -> memref<4x8x128xf32, #tpu.memory_space<hbm>>
        %dma_wait3A_751 = arith.constant 0 : i32
        %dma_wait3A_752 = arith.constant 0 : i32
        %dma_wait3A_753 = tpu.memref_slice %arg6[%sub3A_583, %dma_wait3A_741, %mul3A_739, %dma_wait3A_751, %dma_wait3A_752] : memref<26x4x128x8x128xf32, #tpu.memory_space<hbm>> -> memref<1x1x4x8x128xf32, #tpu.memory_space<hbm>>
        %dma_wait3A_754 = tpu.memref_squeeze %dma_wait3A_753 : memref<1x1x4x8x128xf32, #tpu.memory_space<hbm>> -> memref<4x8x128xf32, #tpu.memory_space<hbm>>
        %dma_wait3A_755 = arith.constant 0 : i32
        %dma_wait3A_756 = arith.constant 0 : i32
        %dma_wait3A_757 = arith.constant 0 : i32
        %dma_wait3A_758 = tpu.memref_slice %arg11[%dma_wait3A_740, %dma_wait3A_755, %dma_wait3A_756, %dma_wait3A_757] : memref<4x4x8x129xf32, #tpu.memory_space<vmem>> -> memref<1x4x8x128xf32, #tpu.memory_space<vmem>>
        %dma_wait3A_759 = tpu.memref_squeeze %dma_wait3A_758 : memref<1x4x8x128xf32, #tpu.memory_space<vmem>> -> memref<4x8x128xf32, #tpu.memory_space<vmem>>
        tpu.wait_dma2 semaphore(%arg14 : memref<!tpu.dma_semaphore, #tpu.memory_space<semaphore_mem>>) src(%dma_wait3A_759 : memref<4x8x128xf32, #tpu.memory_space<vmem>>) dst(%dma_wait3A_754 : memref<4x8x128xf32, #tpu.memory_space<hbm>>)
      } else {
      }
      %scan3A_402 = arith.constant 0 : i32
      %scan3A_403 = arith.constant 4 : i32
      %scan3A_404 = arith.addi %scan3A_402, %scan3A_403 : i32
      %scan3A_405 = arith.constant 1 : i32
      scf.for %scan3A_583 = %scan3A_402 to %scan3A_404 step %scan3A_405  : i32 {
        %mul3A_584 = arith.constant 1 : i32
        %mul3A_585 = arith.muli %scan3A_583, %mul3A_584 : i32
        %add3A_586 = arith.constant 0 : i32
        %add3A_587 = arith.addi %add3A_586, %mul3A_585 : i32
        %broadcast_in_dim3A = vector.broadcast %add3A_587 : i32 to vector<16xi32>
        %scan3A_588 = arith.constant 0 : i32
        %scan3A_589 = arith.constant 128 : i32
        %scan3A_590 = arith.addi %scan3A_588, %scan3A_589 : i32
        %scan3A_591 = arith.constant 1 : i32
        scf.for %scan3A_593 = %scan3A_588 to %scan3A_590 step %scan3A_591  : i32 {
          %mul3A_594 = arith.constant 1 : i32
          %mul3A_595 = arith.muli %scan3A_593, %mul3A_594 : i32
          %add3A_596 = arith.constant 0 : i32
          %add3A_597 = arith.addi %add3A_596, %mul3A_595 : i32
          %mul3A_598 = arith.constant 128 : i32
          %mul3A_599 = arith.muli %add3A_587, %mul3A_598 : i32
          %add3A_600 = arith.addi %mul3A_599, %add3A_597 : i32
          %broadcast_in_dim3A_601 = vector.broadcast %add3A_597 : i32 to vector<16xi32>
          %div3A = arith.constant 8 : i32
          %div3A_602 = vector.broadcast %div3A : i32 to vector<16xi32>
          %div3A_603 = arith.divsi %iota3A, %div3A_602 : vector<16xi32>
          %add3A_604 = arith.constant 0 : i32
          %add3A_605 = vector.broadcast %add3A_604 : i32 to vector<16xi32>
          %add3A_606 = arith.addi %div3A_603, %add3A_605 : vector<16xi32>
          %get3A = arith.index_cast %rem3A_303 : i32 to index
          %get3A_607 = arith.index_cast %add3A_600 : i32 to index
          %get3A_608 = arith.constant 0 : index
          %get3A_609 = tpu.vector_load %arg8[%get3A, %get3A_607, %get3A_608] {strides = array<i32>} : memref<2x512x32xf32, #tpu.memory_space<vmem>>, vector<16xf32>,
          tpu.vector_store_idx %arg10[%add3A_606, %broadcast_in_dim3A, %rem3A_2, %broadcast_in_dim3A_601], %get3A_609 : memref<4x4x8x129xf32, #tpu.memory_space<vmem>>[vector<16xi32>, vector<16xi32>, vector<16xi32>, vector<16xi32>], vector<16xf32>,
          %get3A_610 = arith.index_cast %rem3A_303 : i32 to index
          %get3A_611 = arith.index_cast %add3A_600 : i32 to index
          %get3A_612 = arith.constant 0 : index
          %get3A_613 = tpu.vector_load %arg9[%get3A_610, %get3A_611, %get3A_612] {strides = array<i32>} : memref<2x512x32xf32, #tpu.memory_space<vmem>>, vector<16xf32>,
          tpu.vector_store_idx %arg11[%add3A_606, %broadcast_in_dim3A, %rem3A_2, %broadcast_in_dim3A_601], %get3A_613 : memref<4x4x8x129xf32, #tpu.memory_space<vmem>>[vector<16xi32>, vector<16xi32>, vector<16xi32>, vector<16xi32>], vector<16xf32>,
          %div3A_614 = arith.constant 8 : i32
          %div3A_615 = vector.broadcast %div3A_614 : i32 to vector<16xi32>
          %div3A_616 = arith.divsi %iota3A, %div3A_615 : vector<16xi32>
          %add3A_617 = arith.constant 2 : i32
          %add3A_618 = vector.broadcast %add3A_617 : i32 to vector<16xi32>
          %add3A_619 = arith.addi %div3A_616, %add3A_618 : vector<16xi32>
          %get3A_620 = arith.index_cast %rem3A_303 : i32 to index
          %get3A_621 = arith.index_cast %add3A_600 : i32 to index
          %get3A_622 = arith.constant 16 : index
          %get3A_623 = tpu.vector_load %arg8[%get3A_620, %get3A_621, %get3A_622] {strides = array<i32>} : memref<2x512x32xf32, #tpu.memory_space<vmem>>, vector<16xf32>,
          tpu.vector_store_idx %arg10[%add3A_619, %broadcast_in_dim3A, %rem3A_2, %broadcast_in_dim3A_601], %get3A_623 : memref<4x4x8x129xf32, #tpu.memory_space<vmem>>[vector<16xi32>, vector<16xi32>, vector<16xi32>, vector<16xi32>], vector<16xf32>,
          %get3A_624 = arith.index_cast %rem3A_303 : i32 to index
          %get3A_625 = arith.index_cast %add3A_600 : i32 to index
          %get3A_626 = arith.constant 16 : index
          %get3A_627 = tpu.vector_load %arg9[%get3A_624, %get3A_625, %get3A_626] {strides = array<i32>} : memref<2x512x32xf32, #tpu.memory_space<vmem>>, vector<16xf32>,
          tpu.vector_store_idx %arg11[%add3A_619, %broadcast_in_dim3A, %rem3A_2, %broadcast_in_dim3A_601], %get3A_627 : memref<4x4x8x129xf32, #tpu.memory_space<vmem>>[vector<16xi32>, vector<16xi32>, vector<16xi32>, vector<16xi32>], vector<16xf32>,
        }
        %scan3A_592 = arith.constant 128 : i32
      }
      %scan3A_406 = arith.constant 4 : i32
      %mul3A_407 = arith.constant 4 : i32
      %mul3A_408 = arith.muli %add3A, %mul3A_407 : i32
      %dma_start3A_409 = arith.constant 0 : i32
      %dma_start3A_410 = arith.constant 0 : i32
      %dma_start3A_411 = arith.constant 0 : i32
      %dma_start3A_412 = arith.constant 0 : i32
      %dma_start3A_413 = arith.constant 0 : i32
      %dma_start3A_414 = tpu.memref_slice %arg10[%dma_start3A_409, %dma_start3A_411, %dma_start3A_412, %dma_start3A_413] : memref<4x4x8x129xf32, #tpu.memory_space<vmem>> -> memref<1x4x8x128xf32, #tpu.memory_space<vmem>>
      %dma_start3A_415 = tpu.memref_squeeze %dma_start3A_414 : memref<1x4x8x128xf32, #tpu.memory_space<vmem>> -> memref<4x8x128xf32, #tpu.memory_space<vmem>>
      %dma_start3A_416 = arith.constant 0 : i32
      %dma_start3A_417 = arith.constant 0 : i32
      %dma_start3A_418 = tpu.memref_slice %arg5[%add3A_301, %dma_start3A_410, %mul3A_408, %dma_start3A_416, %dma_start3A_417] : memref<26x4x128x8x128xf32, #tpu.memory_space<hbm>> -> memref<1x1x4x8x128xf32, #tpu.memory_space<hbm>>
      %dma_start3A_419 = tpu.memref_squeeze %dma_start3A_418 : memref<1x1x4x8x128xf32, #tpu.memory_space<hbm>> -> memref<4x8x128xf32, #tpu.memory_space<hbm>>
      %dma_start3A_420 = arith.constant 0 : i32
      %dma_start3A_421 = arith.constant 0 : i32
      %dma_start3A_422 = tpu.memref_slice %arg5[%add3A_301, %dma_start3A_410, %mul3A_408, %dma_start3A_420, %dma_start3A_421] : memref<26x4x128x8x128xf32, #tpu.memory_space<hbm>> -> memref<1x1x4x8x128xf32, #tpu.memory_space<hbm>>
      %dma_start3A_423 = tpu.memref_squeeze %dma_start3A_422 : memref<1x1x4x8x128xf32, #tpu.memory_space<hbm>> -> memref<4x8x128xf32, #tpu.memory_space<hbm>>
      %dma_start3A_424 = arith.constant 0 : i32
      %dma_start3A_425 = arith.constant 0 : i32
      %dma_start3A_426 = arith.constant 0 : i32
      %dma_start3A_427 = tpu.memref_slice %arg10[%dma_start3A_409, %dma_start3A_424, %dma_start3A_425, %dma_start3A_426] : memref<4x4x8x129xf32, #tpu.memory_space<vmem>> -> memref<1x4x8x128xf32, #tpu.memory_space<vmem>>
      %dma_start3A_428 = tpu.memref_squeeze %dma_start3A_427 : memref<1x4x8x128xf32, #tpu.memory_space<vmem>> -> memref<4x8x128xf32, #tpu.memory_space<vmem>>
      tpu.enqueue_dma source(%dma_start3A_428 : memref<4x8x128xf32, #tpu.memory_space<vmem>>) target(%dma_start3A_423 : memref<4x8x128xf32, #tpu.memory_space<hbm>>) target_semaphore(%arg14 : memref<!tpu.dma_semaphore, #tpu.memory_space<semaphore_mem>>)
      %mul3A_429 = arith.constant 4 : i32
      %mul3A_430 = arith.muli %add3A, %mul3A_429 : i32
      %dma_start3A_431 = arith.constant 0 : i32
      %dma_start3A_432 = arith.constant 0 : i32
      %dma_start3A_433 = arith.constant 0 : i32
      %dma_start3A_434 = arith.constant 0 : i32
      %dma_start3A_435 = arith.constant 0 : i32
      %dma_start3A_436 = tpu.memref_slice %arg11[%dma_start3A_431, %dma_start3A_433, %dma_start3A_434, %dma_start3A_435] : memref<4x4x8x129xf32, #tpu.memory_space<vmem>> -> memref<1x4x8x128xf32, #tpu.memory_space<vmem>>
      %dma_start3A_437 = tpu.memref_squeeze %dma_start3A_436 : memref<1x4x8x128xf32, #tpu.memory_space<vmem>> -> memref<4x8x128xf32, #tpu.memory_space<vmem>>
      %dma_start3A_438 = arith.constant 0 : i32
      %dma_start3A_439 = arith.constant 0 : i32
      %dma_start3A_440 = tpu.memref_slice %arg6[%add3A_301, %dma_start3A_432, %mul3A_430, %dma_start3A_438, %dma_start3A_439] : memref<26x4x128x8x128xf32, #tpu.memory_space<hbm>> -> memref<1x1x4x8x128xf32, #tpu.memory_space<hbm>>
      %dma_start3A_441 = tpu.memref_squeeze %dma_start3A_440 : memref<1x1x4x8x128xf32, #tpu.memory_space<hbm>> -> memref<4x8x128xf32, #tpu.memory_space<hbm>>
      %dma_start3A_442 = arith.constant 0 : i32
      %dma_start3A_443 = arith.constant 0 : i32
      %dma_start3A_444 = tpu.memref_slice %arg6[%add3A_301, %dma_start3A_432, %mul3A_430, %dma_start3A_442, %dma_start3A_443] : memref<26x4x128x8x128xf32, #tpu.memory_space<hbm>> -> memref<1x1x4x8x128xf32, #tpu.memory_space<hbm>>
      %dma_start3A_445 = tpu.memref_squeeze %dma_start3A_444 : memref<1x1x4x8x128xf32, #tpu.memory_space<hbm>> -> memref<4x8x128xf32, #tpu.memory_space<hbm>>
      %dma_start3A_446 = arith.constant 0 : i32
      %dma_start3A_447 = arith.constant 0 : i32
      %dma_start3A_448 = arith.constant 0 : i32
      %dma_start3A_449 = tpu.memref_slice %arg11[%dma_start3A_431, %dma_start3A_446, %dma_start3A_447, %dma_start3A_448] : memref<4x4x8x129xf32, #tpu.memory_space<vmem>> -> memref<1x4x8x128xf32, #tpu.memory_space<vmem>>
      %dma_start3A_450 = tpu.memref_squeeze %dma_start3A_449 : memref<1x4x8x128xf32, #tpu.memory_space<vmem>> -> memref<4x8x128xf32, #tpu.memory_space<vmem>>
      tpu.enqueue_dma source(%dma_start3A_450 : memref<4x8x128xf32, #tpu.memory_space<vmem>>) target(%dma_start3A_445 : memref<4x8x128xf32, #tpu.memory_space<hbm>>) target_semaphore(%arg14 : memref<!tpu.dma_semaphore, #tpu.memory_space<semaphore_mem>>)
      %mul3A_451 = arith.constant 4 : i32
      %mul3A_452 = arith.muli %add3A, %mul3A_451 : i32
      %dma_start3A_453 = arith.constant 1 : i32
      %dma_start3A_454 = arith.constant 1 : i32
      %dma_start3A_455 = arith.constant 0 : i32
      %dma_start3A_456 = arith.constant 0 : i32
      %dma_start3A_457 = arith.constant 0 : i32
      %dma_start3A_458 = tpu.memref_slice %arg10[%dma_start3A_453, %dma_start3A_455, %dma_start3A_456, %dma_start3A_457] : memref<4x4x8x129xf32, #tpu.memory_space<vmem>> -> memref<1x4x8x128xf32, #tpu.memory_space<vmem>>
      %dma_start3A_459 = tpu.memref_squeeze %dma_start3A_458 : memref<1x4x8x128xf32, #tpu.memory_space<vmem>> -> memref<4x8x128xf32, #tpu.memory_space<vmem>>
      %dma_start3A_460 = arith.constant 0 : i32
      %dma_start3A_461 = arith.constant 0 : i32
      %dma_start3A_462 = tpu.memref_slice %arg5[%add3A_301, %dma_start3A_454, %mul3A_452, %dma_start3A_460, %dma_start3A_461] : memref<26x4x128x8x128xf32, #tpu.memory_space<hbm>> -> memref<1x1x4x8x128xf32, #tpu.memory_space<hbm>>
      %dma_start3A_463 = tpu.memref_squeeze %dma_start3A_462 : memref<1x1x4x8x128xf32, #tpu.memory_space<hbm>> -> memref<4x8x128xf32, #tpu.memory_space<hbm>>
      %dma_start3A_464 = arith.constant 0 : i32
      %dma_start3A_465 = arith.constant 0 : i32
      %dma_start3A_466 = tpu.memref_slice %arg5[%add3A_301, %dma_start3A_454, %mul3A_452, %dma_start3A_464, %dma_start3A_465] : memref<26x4x128x8x128xf32, #tpu.memory_space<hbm>> -> memref<1x1x4x8x128xf32, #tpu.memory_space<hbm>>
      %dma_start3A_467 = tpu.memref_squeeze %dma_start3A_466 : memref<1x1x4x8x128xf32, #tpu.memory_space<hbm>> -> memref<4x8x128xf32, #tpu.memory_space<hbm>>
      %dma_start3A_468 = arith.constant 0 : i32
      %dma_start3A_469 = arith.constant 0 : i32
      %dma_start3A_470 = arith.constant 0 : i32
      %dma_start3A_471 = tpu.memref_slice %arg10[%dma_start3A_453, %dma_start3A_468, %dma_start3A_469, %dma_start3A_470] : memref<4x4x8x129xf32, #tpu.memory_space<vmem>> -> memref<1x4x8x128xf32, #tpu.memory_space<vmem>>
      %dma_start3A_472 = tpu.memref_squeeze %dma_start3A_471 : memref<1x4x8x128xf32, #tpu.memory_space<vmem>> -> memref<4x8x128xf32, #tpu.memory_space<vmem>>
      tpu.enqueue_dma source(%dma_start3A_472 : memref<4x8x128xf32, #tpu.memory_space<vmem>>) target(%dma_start3A_467 : memref<4x8x128xf32, #tpu.memory_space<hbm>>) target_semaphore(%arg14 : memref<!tpu.dma_semaphore, #tpu.memory_space<semaphore_mem>>)
      %mul3A_473 = arith.constant 4 : i32
      %mul3A_474 = arith.muli %add3A, %mul3A_473 : i32
      %dma_start3A_475 = arith.constant 1 : i32
      %dma_start3A_476 = arith.constant 1 : i32
      %dma_start3A_477 = arith.constant 0 : i32
      %dma_start3A_478 = arith.constant 0 : i32
      %dma_start3A_479 = arith.constant 0 : i32
      %dma_start3A_480 = tpu.memref_slice %arg11[%dma_start3A_475, %dma_start3A_477, %dma_start3A_478, %dma_start3A_479] : memref<4x4x8x129xf32, #tpu.memory_space<vmem>> -> memref<1x4x8x128xf32, #tpu.memory_space<vmem>>
      %dma_start3A_481 = tpu.memref_squeeze %dma_start3A_480 : memref<1x4x8x128xf32, #tpu.memory_space<vmem>> -> memref<4x8x128xf32, #tpu.memory_space<vmem>>
      %dma_start3A_482 = arith.constant 0 : i32
      %dma_start3A_483 = arith.constant 0 : i32
      %dma_start3A_484 = tpu.memref_slice %arg6[%add3A_301, %dma_start3A_476, %mul3A_474, %dma_start3A_482, %dma_start3A_483] : memref<26x4x128x8x128xf32, #tpu.memory_space<hbm>> -> memref<1x1x4x8x128xf32, #tpu.memory_space<hbm>>
      %dma_start3A_485 = tpu.memref_squeeze %dma_start3A_484 : memref<1x1x4x8x128xf32, #tpu.memory_space<hbm>> -> memref<4x8x128xf32, #tpu.memory_space<hbm>>
      %dma_start3A_486 = arith.constant 0 : i32
      %dma_start3A_487 = arith.constant 0 : i32
      %dma_start3A_488 = tpu.memref_slice %arg6[%add3A_301, %dma_start3A_476, %mul3A_474, %dma_start3A_486, %dma_start3A_487] : memref<26x4x128x8x128xf32, #tpu.memory_space<hbm>> -> memref<1x1x4x8x128xf32, #tpu.memory_space<hbm>>
      %dma_start3A_489 = tpu.memref_squeeze %dma_start3A_488 : memref<1x1x4x8x128xf32, #tpu.memory_space<hbm>> -> memref<4x8x128xf32, #tpu.memory_space<hbm>>
      %dma_start3A_490 = arith.constant 0 : i32
      %dma_start3A_491 = arith.constant 0 : i32
      %dma_start3A_492 = arith.constant 0 : i32
      %dma_start3A_493 = tpu.memref_slice %arg11[%dma_start3A_475, %dma_start3A_490, %dma_start3A_491, %dma_start3A_492] : memref<4x4x8x129xf32, #tpu.memory_space<vmem>> -> memref<1x4x8x128xf32, #tpu.memory_space<vmem>>
      %dma_start3A_494 = tpu.memref_squeeze %dma_start3A_493 : memref<1x4x8x128xf32, #tpu.memory_space<vmem>> -> memref<4x8x128xf32, #tpu.memory_space<vmem>>
      tpu.enqueue_dma source(%dma_start3A_494 : memref<4x8x128xf32, #tpu.memory_space<vmem>>) target(%dma_start3A_489 : memref<4x8x128xf32, #tpu.memory_space<hbm>>) target_semaphore(%arg14 : memref<!tpu.dma_semaphore, #tpu.memory_space<semaphore_mem>>)
      %mul3A_495 = arith.constant 4 : i32
      %mul3A_496 = arith.muli %add3A, %mul3A_495 : i32
      %dma_start3A_497 = arith.constant 2 : i32
      %dma_start3A_498 = arith.constant 2 : i32
      %dma_start3A_499 = arith.constant 0 : i32
      %dma_start3A_500 = arith.constant 0 : i32
      %dma_start3A_501 = arith.constant 0 : i32
      %dma_start3A_502 = tpu.memref_slice %arg10[%dma_start3A_497, %dma_start3A_499, %dma_start3A_500, %dma_start3A_501] : memref<4x4x8x129xf32, #tpu.memory_space<vmem>> -> memref<1x4x8x128xf32, #tpu.memory_space<vmem>>
      %dma_start3A_503 = tpu.memref_squeeze %dma_start3A_502 : memref<1x4x8x128xf32, #tpu.memory_space<vmem>> -> memref<4x8x128xf32, #tpu.memory_space<vmem>>
      %dma_start3A_504 = arith.constant 0 : i32
      %dma_start3A_505 = arith.constant 0 : i32
      %dma_start3A_506 = tpu.memref_slice %arg5[%add3A_301, %dma_start3A_498, %mul3A_496, %dma_start3A_504, %dma_start3A_505] : memref<26x4x128x8x128xf32, #tpu.memory_space<hbm>> -> memref<1x1x4x8x128xf32, #tpu.memory_space<hbm>>
      %dma_start3A_507 = tpu.memref_squeeze %dma_start3A_506 : memref<1x1x4x8x128xf32, #tpu.memory_space<hbm>> -> memref<4x8x128xf32, #tpu.memory_space<hbm>>
      %dma_start3A_508 = arith.constant 0 : i32
      %dma_start3A_509 = arith.constant 0 : i32
      %dma_start3A_510 = tpu.memref_slice %arg5[%add3A_301, %dma_start3A_498, %mul3A_496, %dma_start3A_508, %dma_start3A_509] : memref<26x4x128x8x128xf32, #tpu.memory_space<hbm>> -> memref<1x1x4x8x128xf32, #tpu.memory_space<hbm>>
      %dma_start3A_511 = tpu.memref_squeeze %dma_start3A_510 : memref<1x1x4x8x128xf32, #tpu.memory_space<hbm>> -> memref<4x8x128xf32, #tpu.memory_space<hbm>>
      %dma_start3A_512 = arith.constant 0 : i32
      %dma_start3A_513 = arith.constant 0 : i32
      %dma_start3A_514 = arith.constant 0 : i32
      %dma_start3A_515 = tpu.memref_slice %arg10[%dma_start3A_497, %dma_start3A_512, %dma_start3A_513, %dma_start3A_514] : memref<4x4x8x129xf32, #tpu.memory_space<vmem>> -> memref<1x4x8x128xf32, #tpu.memory_space<vmem>>
      %dma_start3A_516 = tpu.memref_squeeze %dma_start3A_515 : memref<1x4x8x128xf32, #tpu.memory_space<vmem>> -> memref<4x8x128xf32, #tpu.memory_space<vmem>>
      tpu.enqueue_dma source(%dma_start3A_516 : memref<4x8x128xf32, #tpu.memory_space<vmem>>) target(%dma_start3A_511 : memref<4x8x128xf32, #tpu.memory_space<hbm>>) target_semaphore(%arg14 : memref<!tpu.dma_semaphore, #tpu.memory_space<semaphore_mem>>)
      %mul3A_517 = arith.constant 4 : i32
      %mul3A_518 = arith.muli %add3A, %mul3A_517 : i32
      %dma_start3A_519 = arith.constant 2 : i32
      %dma_start3A_520 = arith.constant 2 : i32
      %dma_start3A_521 = arith.constant 0 : i32
      %dma_start3A_522 = arith.constant 0 : i32
      %dma_start3A_523 = arith.constant 0 : i32
      %dma_start3A_524 = tpu.memref_slice %arg11[%dma_start3A_519, %dma_start3A_521, %dma_start3A_522, %dma_start3A_523] : memref<4x4x8x129xf32, #tpu.memory_space<vmem>> -> memref<1x4x8x128xf32, #tpu.memory_space<vmem>>
      %dma_start3A_525 = tpu.memref_squeeze %dma_start3A_524 : memref<1x4x8x128xf32, #tpu.memory_space<vmem>> -> memref<4x8x128xf32, #tpu.memory_space<vmem>>
      %dma_start3A_526 = arith.constant 0 : i32
      %dma_start3A_527 = arith.constant 0 : i32
      %dma_start3A_528 = tpu.memref_slice %arg6[%add3A_301, %dma_start3A_520, %mul3A_518, %dma_start3A_526, %dma_start3A_527] : memref<26x4x128x8x128xf32, #tpu.memory_space<hbm>> -> memref<1x1x4x8x128xf32, #tpu.memory_space<hbm>>
      %dma_start3A_529 = tpu.memref_squeeze %dma_start3A_528 : memref<1x1x4x8x128xf32, #tpu.memory_space<hbm>> -> memref<4x8x128xf32, #tpu.memory_space<hbm>>
      %dma_start3A_530 = arith.constant 0 : i32
      %dma_start3A_531 = arith.constant 0 : i32
      %dma_start3A_532 = tpu.memref_slice %arg6[%add3A_301, %dma_start3A_520, %mul3A_518, %dma_start3A_530, %dma_start3A_531] : memref<26x4x128x8x128xf32, #tpu.memory_space<hbm>> -> memref<1x1x4x8x128xf32, #tpu.memory_space<hbm>>
      %dma_start3A_533 = tpu.memref_squeeze %dma_start3A_532 : memref<1x1x4x8x128xf32, #tpu.memory_space<hbm>> -> memref<4x8x128xf32, #tpu.memory_space<hbm>>
      %dma_start3A_534 = arith.constant 0 : i32
      %dma_start3A_535 = arith.constant 0 : i32
      %dma_start3A_536 = arith.constant 0 : i32
      %dma_start3A_537 = tpu.memref_slice %arg11[%dma_start3A_519, %dma_start3A_534, %dma_start3A_535, %dma_start3A_536] : memref<4x4x8x129xf32, #tpu.memory_space<vmem>> -> memref<1x4x8x128xf32, #tpu.memory_space<vmem>>
      %dma_start3A_538 = tpu.memref_squeeze %dma_start3A_537 : memref<1x4x8x128xf32, #tpu.memory_space<vmem>> -> memref<4x8x128xf32, #tpu.memory_space<vmem>>
      tpu.enqueue_dma source(%dma_start3A_538 : memref<4x8x128xf32, #tpu.memory_space<vmem>>) target(%dma_start3A_533 : memref<4x8x128xf32, #tpu.memory_space<hbm>>) target_semaphore(%arg14 : memref<!tpu.dma_semaphore, #tpu.memory_space<semaphore_mem>>)
      %mul3A_539 = arith.constant 4 : i32
      %mul3A_540 = arith.muli %add3A, %mul3A_539 : i32
      %dma_start3A_541 = arith.constant 3 : i32
      %dma_start3A_542 = arith.constant 3 : i32
      %dma_start3A_543 = arith.constant 0 : i32
      %dma_start3A_544 = arith.constant 0 : i32
      %dma_start3A_545 = arith.constant 0 : i32
      %dma_start3A_546 = tpu.memref_slice %arg10[%dma_start3A_541, %dma_start3A_543, %dma_start3A_544, %dma_start3A_545] : memref<4x4x8x129xf32, #tpu.memory_space<vmem>> -> memref<1x4x8x128xf32, #tpu.memory_space<vmem>>
      %dma_start3A_547 = tpu.memref_squeeze %dma_start3A_546 : memref<1x4x8x128xf32, #tpu.memory_space<vmem>> -> memref<4x8x128xf32, #tpu.memory_space<vmem>>
      %dma_start3A_548 = arith.constant 0 : i32
      %dma_start3A_549 = arith.constant 0 : i32
      %dma_start3A_550 = tpu.memref_slice %arg5[%add3A_301, %dma_start3A_542, %mul3A_540, %dma_start3A_548, %dma_start3A_549] : memref<26x4x128x8x128xf32, #tpu.memory_space<hbm>> -> memref<1x1x4x8x128xf32, #tpu.memory_space<hbm>>
      %dma_start3A_551 = tpu.memref_squeeze %dma_start3A_550 : memref<1x1x4x8x128xf32, #tpu.memory_space<hbm>> -> memref<4x8x128xf32, #tpu.memory_space<hbm>>
      %dma_start3A_552 = arith.constant 0 : i32
      %dma_start3A_553 = arith.constant 0 : i32
      %dma_start3A_554 = tpu.memref_slice %arg5[%add3A_301, %dma_start3A_542, %mul3A_540, %dma_start3A_552, %dma_start3A_553] : memref<26x4x128x8x128xf32, #tpu.memory_space<hbm>> -> memref<1x1x4x8x128xf32, #tpu.memory_space<hbm>>
      %dma_start3A_555 = tpu.memref_squeeze %dma_start3A_554 : memref<1x1x4x8x128xf32, #tpu.memory_space<hbm>> -> memref<4x8x128xf32, #tpu.memory_space<hbm>>
      %dma_start3A_556 = arith.constant 0 : i32
      %dma_start3A_557 = arith.constant 0 : i32
      %dma_start3A_558 = arith.constant 0 : i32
      %dma_start3A_559 = tpu.memref_slice %arg10[%dma_start3A_541, %dma_start3A_556, %dma_start3A_557, %dma_start3A_558] : memref<4x4x8x129xf32, #tpu.memory_space<vmem>> -> memref<1x4x8x128xf32, #tpu.memory_space<vmem>>
      %dma_start3A_560 = tpu.memref_squeeze %dma_start3A_559 : memref<1x4x8x128xf32, #tpu.memory_space<vmem>> -> memref<4x8x128xf32, #tpu.memory_space<vmem>>
      tpu.enqueue_dma source(%dma_start3A_560 : memref<4x8x128xf32, #tpu.memory_space<vmem>>) target(%dma_start3A_555 : memref<4x8x128xf32, #tpu.memory_space<hbm>>) target_semaphore(%arg14 : memref<!tpu.dma_semaphore, #tpu.memory_space<semaphore_mem>>)
      %mul3A_561 = arith.constant 4 : i32
      %mul3A_562 = arith.muli %add3A, %mul3A_561 : i32
      %dma_start3A_563 = arith.constant 3 : i32
      %dma_start3A_564 = arith.constant 3 : i32
      %dma_start3A_565 = arith.constant 0 : i32
      %dma_start3A_566 = arith.constant 0 : i32
      %dma_start3A_567 = arith.constant 0 : i32
      %dma_start3A_568 = tpu.memref_slice %arg11[%dma_start3A_563, %dma_start3A_565, %dma_start3A_566, %dma_start3A_567] : memref<4x4x8x129xf32, #tpu.memory_space<vmem>> -> memref<1x4x8x128xf32, #tpu.memory_space<vmem>>
      %dma_start3A_569 = tpu.memref_squeeze %dma_start3A_568 : memref<1x4x8x128xf32, #tpu.memory_space<vmem>> -> memref<4x8x128xf32, #tpu.memory_space<vmem>>
      %dma_start3A_570 = arith.constant 0 : i32
      %dma_start3A_571 = arith.constant 0 : i32
      %dma_start3A_572 = tpu.memref_slice %arg6[%add3A_301, %dma_start3A_564, %mul3A_562, %dma_start3A_570, %dma_start3A_571] : memref<26x4x128x8x128xf32, #tpu.memory_space<hbm>> -> memref<1x1x4x8x128xf32, #tpu.memory_space<hbm>>
      %dma_start3A_573 = tpu.memref_squeeze %dma_start3A_572 : memref<1x1x4x8x128xf32, #tpu.memory_space<hbm>> -> memref<4x8x128xf32, #tpu.memory_space<hbm>>
      %dma_start3A_574 = arith.constant 0 : i32
      %dma_start3A_575 = arith.constant 0 : i32
      %dma_start3A_576 = tpu.memref_slice %arg6[%add3A_301, %dma_start3A_564, %mul3A_562, %dma_start3A_574, %dma_start3A_575] : memref<26x4x128x8x128xf32, #tpu.memory_space<hbm>> -> memref<1x1x4x8x128xf32, #tpu.memory_space<hbm>>
      %dma_start3A_577 = tpu.memref_squeeze %dma_start3A_576 : memref<1x1x4x8x128xf32, #tpu.memory_space<hbm>> -> memref<4x8x128xf32, #tpu.memory_space<hbm>>
      %dma_start3A_578 = arith.constant 0 : i32
      %dma_start3A_579 = arith.constant 0 : i32
      %dma_start3A_580 = arith.constant 0 : i32
      %dma_start3A_581 = tpu.memref_slice %arg11[%dma_start3A_563, %dma_start3A_578, %dma_start3A_579, %dma_start3A_580] : memref<4x4x8x129xf32, #tpu.memory_space<vmem>> -> memref<1x4x8x128xf32, #tpu.memory_space<vmem>>
      %dma_start3A_582 = tpu.memref_squeeze %dma_start3A_581 : memref<1x4x8x128xf32, #tpu.memory_space<vmem>> -> memref<4x8x128xf32, #tpu.memory_space<vmem>>
      tpu.enqueue_dma source(%dma_start3A_582 : memref<4x8x128xf32, #tpu.memory_space<vmem>>) target(%dma_start3A_577 : memref<4x8x128xf32, #tpu.memory_space<hbm>>) target_semaphore(%arg14 : memref<!tpu.dma_semaphore, #tpu.memory_space<semaphore_mem>>)
    }
    %scan3A_113 = arith.constant 26 : i32
    %mul3A_114 = arith.constant 4 : i32
    %mul3A_115 = arith.muli %add3A, %mul3A_114 : i32
    %dma_wait3A = arith.constant 0 : i32
    %dma_wait3A_116 = arith.constant 25 : i32
    %dma_wait3A_117 = arith.constant 0 : i32
    %dma_wait3A_118 = arith.constant 0 : i32
    %dma_wait3A_119 = arith.constant 0 : i32
    %dma_wait3A_120 = arith.constant 0 : i32
    %dma_wait3A_121 = tpu.memref_slice %arg10[%dma_wait3A, %dma_wait3A_118, %dma_wait3A_119, %dma_wait3A_120] : memref<4x4x8x129xf32, #tpu.memory_space<vmem>> -> memref<1x4x8x128xf32, #tpu.memory_space<vmem>>
    %dma_wait3A_122 = tpu.memref_squeeze %dma_wait3A_121 : memref<1x4x8x128xf32, #tpu.memory_space<vmem>> -> memref<4x8x128xf32, #tpu.memory_space<vmem>>
    %dma_wait3A_123 = arith.constant 0 : i32
    %dma_wait3A_124 = arith.constant 0 : i32
    %dma_wait3A_125 = tpu.memref_slice %arg5[%dma_wait3A_116, %dma_wait3A_117, %mul3A_115, %dma_wait3A_123, %dma_wait3A_124] : memref<26x4x128x8x128xf32, #tpu.memory_space<hbm>> -> memref<1x1x4x8x128xf32, #tpu.memory_space<hbm>>
    %dma_wait3A_126 = tpu.memref_squeeze %dma_wait3A_125 : memref<1x1x4x8x128xf32, #tpu.memory_space<hbm>> -> memref<4x8x128xf32, #tpu.memory_space<hbm>>
    %dma_wait3A_127 = arith.constant 0 : i32
    %dma_wait3A_128 = arith.constant 0 : i32
    %dma_wait3A_129 = tpu.memref_slice %arg5[%dma_wait3A_116, %dma_wait3A_117, %mul3A_115, %dma_wait3A_127, %dma_wait3A_128] : memref<26x4x128x8x128xf32, #tpu.memory_space<hbm>> -> memref<1x1x4x8x128xf32, #tpu.memory_space<hbm>>
    %dma_wait3A_130 = tpu.memref_squeeze %dma_wait3A_129 : memref<1x1x4x8x128xf32, #tpu.memory_space<hbm>> -> memref<4x8x128xf32, #tpu.memory_space<hbm>>
    %dma_wait3A_131 = arith.constant 0 : i32
    %dma_wait3A_132 = arith.constant 0 : i32
    %dma_wait3A_133 = arith.constant 0 : i32
    %dma_wait3A_134 = tpu.memref_slice %arg10[%dma_wait3A, %dma_wait3A_131, %dma_wait3A_132, %dma_wait3A_133] : memref<4x4x8x129xf32, #tpu.memory_space<vmem>> -> memref<1x4x8x128xf32, #tpu.memory_space<vmem>>
    %dma_wait3A_135 = tpu.memref_squeeze %dma_wait3A_134 : memref<1x4x8x128xf32, #tpu.memory_space<vmem>> -> memref<4x8x128xf32, #tpu.memory_space<vmem>>
    tpu.wait_dma2 semaphore(%arg14 : memref<!tpu.dma_semaphore, #tpu.memory_space<semaphore_mem>>) src(%dma_wait3A_135 : memref<4x8x128xf32, #tpu.memory_space<vmem>>) dst(%dma_wait3A_130 : memref<4x8x128xf32, #tpu.memory_space<hbm>>)
    %mul3A_136 = arith.constant 4 : i32
    %mul3A_137 = arith.muli %add3A, %mul3A_136 : i32
    %dma_wait3A_138 = arith.constant 0 : i32
    %dma_wait3A_139 = arith.constant 25 : i32
    %dma_wait3A_140 = arith.constant 0 : i32
    %dma_wait3A_141 = arith.constant 0 : i32
    %dma_wait3A_142 = arith.constant 0 : i32
    %dma_wait3A_143 = arith.constant 0 : i32
    %dma_wait3A_144 = tpu.memref_slice %arg11[%dma_wait3A_138, %dma_wait3A_141, %dma_wait3A_142, %dma_wait3A_143] : memref<4x4x8x129xf32, #tpu.memory_space<vmem>> -> memref<1x4x8x128xf32, #tpu.memory_space<vmem>>
    %dma_wait3A_145 = tpu.memref_squeeze %dma_wait3A_144 : memref<1x4x8x128xf32, #tpu.memory_space<vmem>> -> memref<4x8x128xf32, #tpu.memory_space<vmem>>
    %dma_wait3A_146 = arith.constant 0 : i32
    %dma_wait3A_147 = arith.constant 0 : i32
    %dma_wait3A_148 = tpu.memref_slice %arg6[%dma_wait3A_139, %dma_wait3A_140, %mul3A_137, %dma_wait3A_146, %dma_wait3A_147] : memref<26x4x128x8x128xf32, #tpu.memory_space<hbm>> -> memref<1x1x4x8x128xf32, #tpu.memory_space<hbm>>
    %dma_wait3A_149 = tpu.memref_squeeze %dma_wait3A_148 : memref<1x1x4x8x128xf32, #tpu.memory_space<hbm>> -> memref<4x8x128xf32, #tpu.memory_space<hbm>>
    %dma_wait3A_150 = arith.constant 0 : i32
    %dma_wait3A_151 = arith.constant 0 : i32
    %dma_wait3A_152 = tpu.memref_slice %arg6[%dma_wait3A_139, %dma_wait3A_140, %mul3A_137, %dma_wait3A_150, %dma_wait3A_151] : memref<26x4x128x8x128xf32, #tpu.memory_space<hbm>> -> memref<1x1x4x8x128xf32, #tpu.memory_space<hbm>>
    %dma_wait3A_153 = tpu.memref_squeeze %dma_wait3A_152 : memref<1x1x4x8x128xf32, #tpu.memory_space<hbm>> -> memref<4x8x128xf32, #tpu.memory_space<hbm>>
    %dma_wait3A_154 = arith.constant 0 : i32
    %dma_wait3A_155 = arith.constant 0 : i32
    %dma_wait3A_156 = arith.constant 0 : i32
    %dma_wait3A_157 = tpu.memref_slice %arg11[%dma_wait3A_138, %dma_wait3A_154, %dma_wait3A_155, %dma_wait3A_156] : memref<4x4x8x129xf32, #tpu.memory_space<vmem>> -> memref<1x4x8x128xf32, #tpu.memory_space<vmem>>
    %dma_wait3A_158 = tpu.memref_squeeze %dma_wait3A_157 : memref<1x4x8x128xf32, #tpu.memory_space<vmem>> -> memref<4x8x128xf32, #tpu.memory_space<vmem>>
    tpu.wait_dma2 semaphore(%arg14 : memref<!tpu.dma_semaphore, #tpu.memory_space<semaphore_mem>>) src(%dma_wait3A_158 : memref<4x8x128xf32, #tpu.memory_space<vmem>>) dst(%dma_wait3A_153 : memref<4x8x128xf32, #tpu.memory_space<hbm>>)
    %mul3A_159 = arith.constant 4 : i32
    %mul3A_160 = arith.muli %add3A, %mul3A_159 : i32
    %dma_wait3A_161 = arith.constant 1 : i32
    %dma_wait3A_162 = arith.constant 25 : i32
    %dma_wait3A_163 = arith.constant 1 : i32
    %dma_wait3A_164 = arith.constant 0 : i32
    %dma_wait3A_165 = arith.constant 0 : i32
    %dma_wait3A_166 = arith.constant 0 : i32
    %dma_wait3A_167 = tpu.memref_slice %arg10[%dma_wait3A_161, %dma_wait3A_164, %dma_wait3A_165, %dma_wait3A_166] : memref<4x4x8x129xf32, #tpu.memory_space<vmem>> -> memref<1x4x8x128xf32, #tpu.memory_space<vmem>>
    %dma_wait3A_168 = tpu.memref_squeeze %dma_wait3A_167 : memref<1x4x8x128xf32, #tpu.memory_space<vmem>> -> memref<4x8x128xf32, #tpu.memory_space<vmem>>
    %dma_wait3A_169 = arith.constant 0 : i32
    %dma_wait3A_170 = arith.constant 0 : i32
    %dma_wait3A_171 = tpu.memref_slice %arg5[%dma_wait3A_162, %dma_wait3A_163, %mul3A_160, %dma_wait3A_169, %dma_wait3A_170] : memref<26x4x128x8x128xf32, #tpu.memory_space<hbm>> -> memref<1x1x4x8x128xf32, #tpu.memory_space<hbm>>
    %dma_wait3A_172 = tpu.memref_squeeze %dma_wait3A_171 : memref<1x1x4x8x128xf32, #tpu.memory_space<hbm>> -> memref<4x8x128xf32, #tpu.memory_space<hbm>>
    %dma_wait3A_173 = arith.constant 0 : i32
    %dma_wait3A_174 = arith.constant 0 : i32
    %dma_wait3A_175 = tpu.memref_slice %arg5[%dma_wait3A_162, %dma_wait3A_163, %mul3A_160, %dma_wait3A_173, %dma_wait3A_174] : memref<26x4x128x8x128xf32, #tpu.memory_space<hbm>> -> memref<1x1x4x8x128xf32, #tpu.memory_space<hbm>>
    %dma_wait3A_176 = tpu.memref_squeeze %dma_wait3A_175 : memref<1x1x4x8x128xf32, #tpu.memory_space<hbm>> -> memref<4x8x128xf32, #tpu.memory_space<hbm>>
    %dma_wait3A_177 = arith.constant 0 : i32
    %dma_wait3A_178 = arith.constant 0 : i32
    %dma_wait3A_179 = arith.constant 0 : i32
    %dma_wait3A_180 = tpu.memref_slice %arg10[%dma_wait3A_161, %dma_wait3A_177, %dma_wait3A_178, %dma_wait3A_179] : memref<4x4x8x129xf32, #tpu.memory_space<vmem>> -> memref<1x4x8x128xf32, #tpu.memory_space<vmem>>
    %dma_wait3A_181 = tpu.memref_squeeze %dma_wait3A_180 : memref<1x4x8x128xf32, #tpu.memory_space<vmem>> -> memref<4x8x128xf32, #tpu.memory_space<vmem>>
    tpu.wait_dma2 semaphore(%arg14 : memref<!tpu.dma_semaphore, #tpu.memory_space<semaphore_mem>>) src(%dma_wait3A_181 : memref<4x8x128xf32, #tpu.memory_space<vmem>>) dst(%dma_wait3A_176 : memref<4x8x128xf32, #tpu.memory_space<hbm>>)
    %mul3A_182 = arith.constant 4 : i32
    %mul3A_183 = arith.muli %add3A, %mul3A_182 : i32
    %dma_wait3A_184 = arith.constant 1 : i32
    %dma_wait3A_185 = arith.constant 25 : i32
    %dma_wait3A_186 = arith.constant 1 : i32
    %dma_wait3A_187 = arith.constant 0 : i32
    %dma_wait3A_188 = arith.constant 0 : i32
    %dma_wait3A_189 = arith.constant 0 : i32
    %dma_wait3A_190 = tpu.memref_slice %arg11[%dma_wait3A_184, %dma_wait3A_187, %dma_wait3A_188, %dma_wait3A_189] : memref<4x4x8x129xf32, #tpu.memory_space<vmem>> -> memref<1x4x8x128xf32, #tpu.memory_space<vmem>>
    %dma_wait3A_191 = tpu.memref_squeeze %dma_wait3A_190 : memref<1x4x8x128xf32, #tpu.memory_space<vmem>> -> memref<4x8x128xf32, #tpu.memory_space<vmem>>
    %dma_wait3A_192 = arith.constant 0 : i32
    %dma_wait3A_193 = arith.constant 0 : i32
    %dma_wait3A_194 = tpu.memref_slice %arg6[%dma_wait3A_185, %dma_wait3A_186, %mul3A_183, %dma_wait3A_192, %dma_wait3A_193] : memref<26x4x128x8x128xf32, #tpu.memory_space<hbm>> -> memref<1x1x4x8x128xf32, #tpu.memory_space<hbm>>
    %dma_wait3A_195 = tpu.memref_squeeze %dma_wait3A_194 : memref<1x1x4x8x128xf32, #tpu.memory_space<hbm>> -> memref<4x8x128xf32, #tpu.memory_space<hbm>>
    %dma_wait3A_196 = arith.constant 0 : i32
    %dma_wait3A_197 = arith.constant 0 : i32
    %dma_wait3A_198 = tpu.memref_slice %arg6[%dma_wait3A_185, %dma_wait3A_186, %mul3A_183, %dma_wait3A_196, %dma_wait3A_197] : memref<26x4x128x8x128xf32, #tpu.memory_space<hbm>> -> memref<1x1x4x8x128xf32, #tpu.memory_space<hbm>>
    %dma_wait3A_199 = tpu.memref_squeeze %dma_wait3A_198 : memref<1x1x4x8x128xf32, #tpu.memory_space<hbm>> -> memref<4x8x128xf32, #tpu.memory_space<hbm>>
    %dma_wait3A_200 = arith.constant 0 : i32
    %dma_wait3A_201 = arith.constant 0 : i32
    %dma_wait3A_202 = arith.constant 0 : i32
    %dma_wait3A_203 = tpu.memref_slice %arg11[%dma_wait3A_184, %dma_wait3A_200, %dma_wait3A_201, %dma_wait3A_202] : memref<4x4x8x129xf32, #tpu.memory_space<vmem>> -> memref<1x4x8x128xf32, #tpu.memory_space<vmem>>
    %dma_wait3A_204 = tpu.memref_squeeze %dma_wait3A_203 : memref<1x4x8x128xf32, #tpu.memory_space<vmem>> -> memref<4x8x128xf32, #tpu.memory_space<vmem>>
    tpu.wait_dma2 semaphore(%arg14 : memref<!tpu.dma_semaphore, #tpu.memory_space<semaphore_mem>>) src(%dma_wait3A_204 : memref<4x8x128xf32, #tpu.memory_space<vmem>>) dst(%dma_wait3A_199 : memref<4x8x128xf32, #tpu.memory_space<hbm>>)
    %mul3A_205 = arith.constant 4 : i32
    %mul3A_206 = arith.muli %add3A, %mul3A_205 : i32
    %dma_wait3A_207 = arith.constant 2 : i32
    %dma_wait3A_208 = arith.constant 25 : i32
    %dma_wait3A_209 = arith.constant 2 : i32
    %dma_wait3A_210 = arith.constant 0 : i32
    %dma_wait3A_211 = arith.constant 0 : i32
    %dma_wait3A_212 = arith.constant 0 : i32
    %dma_wait3A_213 = tpu.memref_slice %arg10[%dma_wait3A_207, %dma_wait3A_210, %dma_wait3A_211, %dma_wait3A_212] : memref<4x4x8x129xf32, #tpu.memory_space<vmem>> -> memref<1x4x8x128xf32, #tpu.memory_space<vmem>>
    %dma_wait3A_214 = tpu.memref_squeeze %dma_wait3A_213 : memref<1x4x8x128xf32, #tpu.memory_space<vmem>> -> memref<4x8x128xf32, #tpu.memory_space<vmem>>
    %dma_wait3A_215 = arith.constant 0 : i32
    %dma_wait3A_216 = arith.constant 0 : i32
    %dma_wait3A_217 = tpu.memref_slice %arg5[%dma_wait3A_208, %dma_wait3A_209, %mul3A_206, %dma_wait3A_215, %dma_wait3A_216] : memref<26x4x128x8x128xf32, #tpu.memory_space<hbm>> -> memref<1x1x4x8x128xf32, #tpu.memory_space<hbm>>
    %dma_wait3A_218 = tpu.memref_squeeze %dma_wait3A_217 : memref<1x1x4x8x128xf32, #tpu.memory_space<hbm>> -> memref<4x8x128xf32, #tpu.memory_space<hbm>>
    %dma_wait3A_219 = arith.constant 0 : i32
    %dma_wait3A_220 = arith.constant 0 : i32
    %dma_wait3A_221 = tpu.memref_slice %arg5[%dma_wait3A_208, %dma_wait3A_209, %mul3A_206, %dma_wait3A_219, %dma_wait3A_220] : memref<26x4x128x8x128xf32, #tpu.memory_space<hbm>> -> memref<1x1x4x8x128xf32, #tpu.memory_space<hbm>>
    %dma_wait3A_222 = tpu.memref_squeeze %dma_wait3A_221 : memref<1x1x4x8x128xf32, #tpu.memory_space<hbm>> -> memref<4x8x128xf32, #tpu.memory_space<hbm>>
    %dma_wait3A_223 = arith.constant 0 : i32
    %dma_wait3A_224 = arith.constant 0 : i32
    %dma_wait3A_225 = arith.constant 0 : i32
    %dma_wait3A_226 = tpu.memref_slice %arg10[%dma_wait3A_207, %dma_wait3A_223, %dma_wait3A_224, %dma_wait3A_225] : memref<4x4x8x129xf32, #tpu.memory_space<vmem>> -> memref<1x4x8x128xf32, #tpu.memory_space<vmem>>
    %dma_wait3A_227 = tpu.memref_squeeze %dma_wait3A_226 : memref<1x4x8x128xf32, #tpu.memory_space<vmem>> -> memref<4x8x128xf32, #tpu.memory_space<vmem>>
    tpu.wait_dma2 semaphore(%arg14 : memref<!tpu.dma_semaphore, #tpu.memory_space<semaphore_mem>>) src(%dma_wait3A_227 : memref<4x8x128xf32, #tpu.memory_space<vmem>>) dst(%dma_wait3A_222 : memref<4x8x128xf32, #tpu.memory_space<hbm>>)
    %mul3A_228 = arith.constant 4 : i32
    %mul3A_229 = arith.muli %add3A, %mul3A_228 : i32
    %dma_wait3A_230 = arith.constant 2 : i32
    %dma_wait3A_231 = arith.constant 25 : i32
    %dma_wait3A_232 = arith.constant 2 : i32
    %dma_wait3A_233 = arith.constant 0 : i32
    %dma_wait3A_234 = arith.constant 0 : i32
    %dma_wait3A_235 = arith.constant 0 : i32
    %dma_wait3A_236 = tpu.memref_slice %arg11[%dma_wait3A_230, %dma_wait3A_233, %dma_wait3A_234, %dma_wait3A_235] : memref<4x4x8x129xf32, #tpu.memory_space<vmem>> -> memref<1x4x8x128xf32, #tpu.memory_space<vmem>>
    %dma_wait3A_237 = tpu.memref_squeeze %dma_wait3A_236 : memref<1x4x8x128xf32, #tpu.memory_space<vmem>> -> memref<4x8x128xf32, #tpu.memory_space<vmem>>
    %dma_wait3A_238 = arith.constant 0 : i32
    %dma_wait3A_239 = arith.constant 0 : i32
    %dma_wait3A_240 = tpu.memref_slice %arg6[%dma_wait3A_231, %dma_wait3A_232, %mul3A_229, %dma_wait3A_238, %dma_wait3A_239] : memref<26x4x128x8x128xf32, #tpu.memory_space<hbm>> -> memref<1x1x4x8x128xf32, #tpu.memory_space<hbm>>
    %dma_wait3A_241 = tpu.memref_squeeze %dma_wait3A_240 : memref<1x1x4x8x128xf32, #tpu.memory_space<hbm>> -> memref<4x8x128xf32, #tpu.memory_space<hbm>>
    %dma_wait3A_242 = arith.constant 0 : i32
    %dma_wait3A_243 = arith.constant 0 : i32
    %dma_wait3A_244 = tpu.memref_slice %arg6[%dma_wait3A_231, %dma_wait3A_232, %mul3A_229, %dma_wait3A_242, %dma_wait3A_243] : memref<26x4x128x8x128xf32, #tpu.memory_space<hbm>> -> memref<1x1x4x8x128xf32, #tpu.memory_space<hbm>>
    %dma_wait3A_245 = tpu.memref_squeeze %dma_wait3A_244 : memref<1x1x4x8x128xf32, #tpu.memory_space<hbm>> -> memref<4x8x128xf32, #tpu.memory_space<hbm>>
    %dma_wait3A_246 = arith.constant 0 : i32
    %dma_wait3A_247 = arith.constant 0 : i32
    %dma_wait3A_248 = arith.constant 0 : i32
    %dma_wait3A_249 = tpu.memref_slice %arg11[%dma_wait3A_230, %dma_wait3A_246, %dma_wait3A_247, %dma_wait3A_248] : memref<4x4x8x129xf32, #tpu.memory_space<vmem>> -> memref<1x4x8x128xf32, #tpu.memory_space<vmem>>
    %dma_wait3A_250 = tpu.memref_squeeze %dma_wait3A_249 : memref<1x4x8x128xf32, #tpu.memory_space<vmem>> -> memref<4x8x128xf32, #tpu.memory_space<vmem>>
    tpu.wait_dma2 semaphore(%arg14 : memref<!tpu.dma_semaphore, #tpu.memory_space<semaphore_mem>>) src(%dma_wait3A_250 : memref<4x8x128xf32, #tpu.memory_space<vmem>>) dst(%dma_wait3A_245 : memref<4x8x128xf32, #tpu.memory_space<hbm>>)
    %mul3A_251 = arith.constant 4 : i32
    %mul3A_252 = arith.muli %add3A, %mul3A_251 : i32
    %dma_wait3A_253 = arith.constant 3 : i32
    %dma_wait3A_254 = arith.constant 25 : i32
    %dma_wait3A_255 = arith.constant 3 : i32
    %dma_wait3A_256 = arith.constant 0 : i32
    %dma_wait3A_257 = arith.constant 0 : i32
    %dma_wait3A_258 = arith.constant 0 : i32
    %dma_wait3A_259 = tpu.memref_slice %arg10[%dma_wait3A_253, %dma_wait3A_256, %dma_wait3A_257, %dma_wait3A_258] : memref<4x4x8x129xf32, #tpu.memory_space<vmem>> -> memref<1x4x8x128xf32, #tpu.memory_space<vmem>>
    %dma_wait3A_260 = tpu.memref_squeeze %dma_wait3A_259 : memref<1x4x8x128xf32, #tpu.memory_space<vmem>> -> memref<4x8x128xf32, #tpu.memory_space<vmem>>
    %dma_wait3A_261 = arith.constant 0 : i32
    %dma_wait3A_262 = arith.constant 0 : i32
    %dma_wait3A_263 = tpu.memref_slice %arg5[%dma_wait3A_254, %dma_wait3A_255, %mul3A_252, %dma_wait3A_261, %dma_wait3A_262] : memref<26x4x128x8x128xf32, #tpu.memory_space<hbm>> -> memref<1x1x4x8x128xf32, #tpu.memory_space<hbm>>
    %dma_wait3A_264 = tpu.memref_squeeze %dma_wait3A_263 : memref<1x1x4x8x128xf32, #tpu.memory_space<hbm>> -> memref<4x8x128xf32, #tpu.memory_space<hbm>>
    %dma_wait3A_265 = arith.constant 0 : i32
    %dma_wait3A_266 = arith.constant 0 : i32
    %dma_wait3A_267 = tpu.memref_slice %arg5[%dma_wait3A_254, %dma_wait3A_255, %mul3A_252, %dma_wait3A_265, %dma_wait3A_266] : memref<26x4x128x8x128xf32, #tpu.memory_space<hbm>> -> memref<1x1x4x8x128xf32, #tpu.memory_space<hbm>>
    %dma_wait3A_268 = tpu.memref_squeeze %dma_wait3A_267 : memref<1x1x4x8x128xf32, #tpu.memory_space<hbm>> -> memref<4x8x128xf32, #tpu.memory_space<hbm>>
    %dma_wait3A_269 = arith.constant 0 : i32
    %dma_wait3A_270 = arith.constant 0 : i32
    %dma_wait3A_271 = arith.constant 0 : i32
    %dma_wait3A_272 = tpu.memref_slice %arg10[%dma_wait3A_253, %dma_wait3A_269, %dma_wait3A_270, %dma_wait3A_271] : memref<4x4x8x129xf32, #tpu.memory_space<vmem>> -> memref<1x4x8x128xf32, #tpu.memory_space<vmem>>
    %dma_wait3A_273 = tpu.memref_squeeze %dma_wait3A_272 : memref<1x4x8x128xf32, #tpu.memory_space<vmem>> -> memref<4x8x128xf32, #tpu.memory_space<vmem>>
    tpu.wait_dma2 semaphore(%arg14 : memref<!tpu.dma_semaphore, #tpu.memory_space<semaphore_mem>>) src(%dma_wait3A_273 : memref<4x8x128xf32, #tpu.memory_space<vmem>>) dst(%dma_wait3A_268 : memref<4x8x128xf32, #tpu.memory_space<hbm>>)
    %mul3A_274 = arith.constant 4 : i32
    %mul3A_275 = arith.muli %add3A, %mul3A_274 : i32
    %dma_wait3A_276 = arith.constant 3 : i32
    %dma_wait3A_277 = arith.constant 25 : i32
    %dma_wait3A_278 = arith.constant 3 : i32
    %dma_wait3A_279 = arith.constant 0 : i32
    %dma_wait3A_280 = arith.constant 0 : i32
    %dma_wait3A_281 = arith.constant 0 : i32
    %dma_wait3A_282 = tpu.memref_slice %arg11[%dma_wait3A_276, %dma_wait3A_279, %dma_wait3A_280, %dma_wait3A_281] : memref<4x4x8x129xf32, #tpu.memory_space<vmem>> -> memref<1x4x8x128xf32, #tpu.memory_space<vmem>>
    %dma_wait3A_283 = tpu.memref_squeeze %dma_wait3A_282 : memref<1x4x8x128xf32, #tpu.memory_space<vmem>> -> memref<4x8x128xf32, #tpu.memory_space<vmem>>
    %dma_wait3A_284 = arith.constant 0 : i32
    %dma_wait3A_285 = arith.constant 0 : i32
    %dma_wait3A_286 = tpu.memref_slice %arg6[%dma_wait3A_277, %dma_wait3A_278, %mul3A_275, %dma_wait3A_284, %dma_wait3A_285] : memref<26x4x128x8x128xf32, #tpu.memory_space<hbm>> -> memref<1x1x4x8x128xf32, #tpu.memory_space<hbm>>
    %dma_wait3A_287 = tpu.memref_squeeze %dma_wait3A_286 : memref<1x1x4x8x128xf32, #tpu.memory_space<hbm>> -> memref<4x8x128xf32, #tpu.memory_space<hbm>>
    %dma_wait3A_288 = arith.constant 0 : i32
    %dma_wait3A_289 = arith.constant 0 : i32
    %dma_wait3A_290 = tpu.memref_slice %arg6[%dma_wait3A_277, %dma_wait3A_278, %mul3A_275, %dma_wait3A_288, %dma_wait3A_289] : memref<26x4x128x8x128xf32, #tpu.memory_space<hbm>> -> memref<1x1x4x8x128xf32, #tpu.memory_space<hbm>>
    %dma_wait3A_291 = tpu.memref_squeeze %dma_wait3A_290 : memref<1x1x4x8x128xf32, #tpu.memory_space<hbm>> -> memref<4x8x128xf32, #tpu.memory_space<hbm>>
    %dma_wait3A_292 = arith.constant 0 : i32
    %dma_wait3A_293 = arith.constant 0 : i32
    %dma_wait3A_294 = arith.constant 0 : i32
    %dma_wait3A_295 = tpu.memref_slice %arg11[%dma_wait3A_276, %dma_wait3A_292, %dma_wait3A_293, %dma_wait3A_294] : memref<4x4x8x129xf32, #tpu.memory_space<vmem>> -> memref<1x4x8x128xf32, #tpu.memory_space<vmem>>
    %dma_wait3A_296 = tpu.memref_squeeze %dma_wait3A_295 : memref<1x4x8x128xf32, #tpu.memory_space<vmem>> -> memref<4x8x128xf32, #tpu.memory_space<vmem>>
    tpu.wait_dma2 semaphore(%arg14 : memref<!tpu.dma_semaphore, #tpu.memory_space<semaphore_mem>>) src(%dma_wait3A_296 : memref<4x8x128xf32, #tpu.memory_space<vmem>>) dst(%dma_wait3A_291 : memref<4x8x128xf32, #tpu.memory_space<hbm>>)
    return
  }
}

</mosaic_0001>

<sc_bundles>
// kernel: kernel.3.cloned.1.call-start
scs
__scs_entry_jumppad:
0x0: {  	(pc) =	sbr.rel $0x88, $3  }
0x1: {  	(tag) =	ssettag $0x0;
	lr =	simm.s32 $0x1  }
0x2: {  	[smem:$0x3F9E] =	sst lr;
	_ =	strace $0xD0000000  }
0x3: {  	_ = 	snop  }
0x4: {  	_ = 	snop  }
0x5: {  	_ = 	snop  }
0x6: {  	_ = 	snop  }
0x7: {  	_ = 	snop  }
__scs_overlays_trampoline_lowered:
0x8: {  	[smem:$0x3FAD] =	sst s0  }
0x9: {  	[smem:$0x3FAE] =	sst s1  }
0xa: {  	[smem:$0x3FAF] =	sst s2  }
0xb: {  	[smem:$0x3FB0] =	sst s3  }
0xc: {  	[smem:$0x3FB1] =	sst s4  }
0xd: {  	[smem:$0x3FB2] =	sst s5  }
0xe: {  	[smem:$0x3FB3] =	sst s6  }
0xf: {  	[smem:$0x3FB4] =	sst s7  }
0x10: {  	[smem:$0x3FB5] =	sst s8  }
0x11: {  	[smem:$0x3FB6] =	sst s9;
	s0 =	simm.s32 @!p0 $0x0  }
0x12: {  	s1 =	sld [smem:$0x3F9C];
	s0 =	simm.s32 @p0 $0x1  }
0x13: {  	[smem:$0x3FB7] =	sst s0;
	s0 =	simm.s32 @!p1 $0x0  }
0x14: {  	s2 =	sld [smem:$0x3F9B];
	s0 =	simm.s32 @p1 $0x1  }
0x15: {  	[smem:$0x3FB8] =	sst s0;
	s0 =	simm.s32 @!p2 $0x0  }
0x16: {  	s3 =	sld [smem:$0x3FDB];
	s0 =	simm.s32 @p2 $0x1  }
0x17: {  	s4 =	simm.s32 $0x1BF5;
	[smem:$0x3FBA] =	sst s0  }
0x18: {  	s0 =	sld [smem:$0x3F9D];
	_ =	swait.ge [sflag:s4], $0x0  }
0x19: {  	s7 =	sld [smem:$0x3F9E]  }
0x1a: {  	s8 =	sadd.s32 $0xFFFFE003, lr  }
0x1b: {  	s9 =	sadd.s32 $0xFFFFFEF7, lr;
	s5 =	simm.s32 $0xFFFFFFFF;
	p2 =	slt.u32 s8, $0xFFFFF086  }
0x1c: {  	p1 =	slt.u32 s9, $0xF7A;
	s5 =	simm.s32 @!p2 $0x0  }
0x1d: {  	s5 =	simm.s32 @p1 $0x1;
	p0 =	seq.s32 s7, s2  }
0x1e: {  	s7 =	smul.u32 @!p0 $0xF7A, s2;
	p2 =	seq.s32 @!p0 s5, $0x0  }
0x1f: {  	s9 =	smul.u32 $0xF7A, s1;
	s8 =	simm.s32 @!p0 $0x1BF5;
	p2 =	por !p2, p0  }
0x20: {  	[sflag:s8] =	ssyncset.s32 @!p0 $0xFFFFF086;
	s6 =	sadd.s32 @!p0 s3, s7;
	s7 =	simm.s32 @!p0 $0x108  }
0x21: {  	s3 =	sadd.s32 s3, s9;
	s6 =	sadd.s32 @!p0 $0x88, s6;
	s7 =	simm.s32 @p2 $0x1082  }
0x22: {  	[simem:s7], [sflag:s8] =	dma.local @!p0 [hbm:s6], $0xF7A  }
0x23: {  	s9 =	sor.u32 $0xD0000000, s2;
	s6 =	simm.s32 $0x108;
	_ =	swait.ge @!p0 [sflag:s8], $0x0  }
0x24: {  	s3 =	sadd.s32 $0x88, s3;
	s6 =	simm.s32 @!p1 $0x1082;
	[sflag:s4] =	ssyncset.s32 $0xFFFFF086  }
0x25: {  	[simem:s6], [sflag:s4] =	dma.local [hbm:s3], $0xF7A  }
0x26: {  	[smem:$0x3F9E] =	sst s1;
	(tag) =	ssettag s2;
	_ =	strace s9  }
0x27: {  	s1 =	sld [smem:$0x3FAE]  }
0x28: {  	s2 =	sld [smem:$0x3FAF]  }
0x29: {  	s4 =	sld [smem:$0x3FB1]  }
0x2a: {  	p0 =	seq.s32 s5, $0x0;
	s5 =	sld [smem:$0x3FB2]  }
0x2b: {  	s6 =	sld [smem:$0x3FB3]  }
0x2c: {  	s7 =	sld [smem:$0x3FB4]  }
0x2d: {  	s3 =	simm.s32 $0x108;
	s8 =	sld [smem:$0x3FB5]  }
0x2e: {  	s3 =	simm.s32 @!p0 $0x1082;
	s9 =	sld [smem:$0x3FB6]  }
0x2f: {  	lr =	sadd.s32 s0, s3;
	s0 =	sld [smem:$0x3FAD]  }
0x30: {  	s3 =	sld [smem:$0x3FB0]  }
0x31: {  	[smem:$0x3FB9] =	sst s10  }
0x32: {  	s10 =	sld [smem:$0x3FB7];
	_ =	sdelay $0x3  }
0x33: {  	p0 =	seq.s32 s10, $0x1;
	s10 =	sld [smem:$0x3FB9];
	_ =	sdelay $0x3  }
0x34: {  	[smem:$0x3FB9] =	sst s10  }
0x35: {  	s10 =	sld [smem:$0x3FB8];
	_ =	sdelay $0x3  }
0x36: {  	p1 =	seq.s32 s10, $0x1;
	s10 =	sld [smem:$0x3FB9];
	_ =	sdelay $0x3  }
0x37: {  	[smem:$0x3FB9] =	sst s10  }
0x38: {  	s10 =	sld [smem:$0x3FBA]  }
0x39: {  	_ = 	snop;
	(pc) =	sbr.ind lr, $3  }
0x3a: {  	_ = 	snop  }
0x3b: {  	_ = 	snop  }
0x3c: {  	p2 =	seq.s32 s10, $0x1;
	s10 =	sld [smem:$0x3FB9]  }
0x3d: {  	_ =	shalt  }
0x3e: {  	_ =	shalt  }
0x3f: {  	_ =	shalt  }
0x40: {  	_ =	shalt  }
0x41: {  	_ =	shalt  }
0x42: {  	_ =	shalt  }
0x43: {  	_ =	shalt  }
0x44: {  	_ =	shalt  }
0x45: {  	_ =	shalt  }
0x46: {  	_ =	shalt  }
0x47: {  	_ =	shalt  }
0x48: {  	_ =	shalt  }
0x49: {  	_ =	shalt  }
0x4a: {  	_ =	shalt  }
0x4b: {  	_ =	shalt  }
0x4c: {  	_ =	shalt  }
0x4d: {  	_ =	shalt  }
0x4e: {  	_ =	shalt  }
0x4f: {  	_ =	shalt  }
0x50: {  	_ =	shalt  }
0x51: {  	_ =	shalt  }
0x52: {  	_ =	shalt  }
0x53: {  	_ =	shalt  }
0x54: {  	_ =	shalt  }
0x55: {  	_ =	shalt  }
0x56: {  	_ =	shalt  }
0x57: {  	_ =	shalt  }
0x58: {  	_ =	shalt  }
0x59: {  	_ =	shalt  }
0x5a: {  	_ =	shalt  }
0x5b: {  	_ =	shalt  }
0x5c: {  	_ =	shalt  }
0x5d: {  	_ =	shalt  }
0x5e: {  	_ =	shalt  }
0x5f: {  	_ =	shalt  }
0x60: {  	_ =	shalt  }
0x61: {  	_ =	shalt  }
0x62: {  	_ =	shalt  }
0x63: {  	_ =	shalt  }
0x64: {  	_ =	shalt  }
0x65: {  	_ =	shalt  }
0x66: {  	_ =	shalt  }
0x67: {  	_ =	shalt  }
0x68: {  	_ =	shalt  }
0x69: {  	_ =	shalt  }
0x6a: {  	_ =	shalt  }
0x6b: {  	_ =	shalt  }
0x6c: {  	_ =	shalt  }
0x6d: {  	_ =	shalt  }
0x6e: {  	_ =	shalt  }
0x6f: {  	_ =	shalt  }
0x70: {  	_ =	shalt  }
0x71: {  	_ =	shalt  }
0x72: {  	_ =	shalt  }
0x73: {  	_ =	shalt  }
0x74: {  	_ =	shalt  }
0x75: {  	_ =	shalt  }
0x76: {  	_ =	shalt  }
0x77: {  	_ =	shalt  }
0x78: {  	_ =	shalt  }
0x79: {  	_ =	shalt  }
0x7a: {  	_ =	shalt  }
0x7b: {  	_ =	shalt  }
0x7c: {  	_ =	shalt  }
0x7d: {  	_ =	shalt  }
0x7e: {  	_ =	shalt  }
0x7f: {  	_ =	shalt  }
0x80: {  	_ =	shalt  }
0x81: {  	_ =	shalt  }
0x82: {  	_ =	shalt  }
0x83: {  	_ =	shalt  }
0x84: {  	_ =	shalt  }
0x85: {  	_ =	shalt  }
0x86: {  	_ =	shalt  }
0x87: {  	_ =	shalt  }
.Lfunc_end0:
.L_simem_size_0:
called_computation_lowered:
.L_overlay_start_0:
0x88: {  	s2 =	sld [smem:$0x3FD9]  }
0x89: {  	s3 =	sld [smem:$0x3FFE];
	_ =	sdelay $0x1  }
0x8a: {  	s1 =	srdreg.scid  }
0x8b: {  	s0 =	sand.u32 $0x1, s1  }
0x8c: {  	s17 =	sshll.u32 s0, $0xA;
	s2 =	sadd.s32 s3, s2  }
0x8d: {  	s2 =	sadd.s32 s2, s17  }
0x8e: {  	[smem:$0x3FC5] =	sst s2  }
0x8f: {  	_ = 	snop  }
0x90: {  	s2 =	sld [smem:$0x3FD0];
	(tm) =	ssettm $0x1  }
0x91: {  	s18 =	sld [smem:$0x3FFB];
	_ =	sdelay $0x3  }
0x92: {  	_ =	strace s18  }
0x93: {  	s3 =	sld [smem:$0x3FFC];
	_ =	sdelay $0x3  }
0x94: {  	_ =	strace s3  }
0x95: {  	s3 =	sld [smem:$0x3FFD];
	_ =	sdelay $0x3  }
0x96: {  	_ =	strace s3  }
0x97: {  	_ =	strace $0x8FFFFFFF  }
0x98: {  	s19 =	sld [smem:$0x3FDB];
	_ =	sdelay $0x1  }
0x99: {  	s4 =	simm.s32 $_scs_section_size  }
0x9a: {  	s5 =	simm.s32 $_size__tile_overlayer_lowered;
	s6 =	simm.s32 $_tile_overlayer_lowered  }
0x9b: {  	s22 =	simm.s32 $0x1BFF;
	s21 =	sshll.u32 s6, $0x1;
	s3 =	sadd.s32 s4, s19  }
0x9c: {  	s7 =	simm.s32 $0x0;
	s20 =	sshll.u32 s5, $0x1;
	s5 =	sadd.s32 s21, s3  }
0x9d: {  	[timem:s7], [sflag:s22] =	dma.local [hbm:s5], s20  }
0x9e: {  	_ =	swait.ge [sflag:s22], s20  }
0x9f: {  	s4 =	ssub.s32 $0x0, s20;
	[sflag:s22] =	ssyncset.done $0x0  }
0xa0: {  	[sflag:s22] =	ssyncadd.s32 s4;
	_ =	sdelay $0x1  }
0xa1: {  	s23 =	simm.s32 $0x1B8B  }
0xa2: {  	_ =	swait.ge [sflag:s23], $0x1  }
0xa3: {  	[sflag:s23] =	ssyncset.done $0x0  }
0xa4: {  	s25 =	simm.s32 $0x1B8E;
	s24 =	sld [smem:$0x3FFE];
	[sflag:s23] =	ssyncadd.s32 $0xFFFFFFFF  }
0xa5: {  	s26 =	simm.s32 $execute0_lowered;
	[smem:$0x3FD2] =	sst s25  }
0xa6: {  	s5 =	sshll.u32 s26, $0x1;
	_ =	strace $0x80000046;
	[dreg:$0x1] =	wrdreg $0xFFFFFFFF  }
0xa7: {  	s28 =	simm.s32 $_size_execute0_lowered;
	s3 =	sadd.s32 s3, s5;
	[dreg:$0x0] =	wrdreg $0x0  }
0xa8: {  	s5 =	sshll.u32 s28, $0x1;
	[dreg:$0x2] =	wrdreg s3  }
0xa9: {  	[dreg:$0x3] =	wrdreg s5  }
0xaa: {  	[dreg:$0x4] =	wrdreg $0xC0  }
0xab: {  	_ =	task [dreg:s7], $0x5FFFF  }
0xac: {  	[dreg:$0x1] =	wrdreg $0xFFFFFFFF  }
0xad: {  	[dreg:$0x0] =	wrdreg $0x60  }
0xae: {  	[dreg:$0x2] =	wrdreg s2  }
0xaf: {  	[dreg:$0x3] =	wrdreg s24  }
0xb0: {  	[dreg:$0x4] =	wrdreg $0x9  }
0xb1: {  	_ =	task.clear_ibuf [dreg:s7], $0x5FFFF;
	_ =	strace $0x90000046  }
0xb2: {  	s29 =	simm.s32 $0x9;
	_ =	strace $0x80000048  }
0xb3: {  	_ =	swait.ge [sflag:s29], $0x1  }
0xb4: {  	[sflag:s29] =	ssyncadd.s32 $0xFFFFFFFF  }
0xb5: {  	_ =	strace $0x90000048  }
0xb6: {  	_ =	sfence  }
0xb7: {  	s30 =	sld [smem:$0x0];
	_ =	sdelay $0x2  }
0xb8: {  	s31 =	sshll.u32 s1, $0xD;
	s1 =	sshrl.u32 s1, $0x2  }
0xb9: {  	s3 =	sand.u32 $0x4000, s31;
	s1 =	sadd.s32 s1, s30  }
0xba: {  	s0 =	sor.u32 s3, s0;
	s1 =	sshll.u32 s1, $0x11  }
0xbb: {  	s0 =	sor.u32 s1, s0  }
0xbc: {  	s0 =	sadd.s32 $0x8F2B, s0  }
0xbd: {  	[sflag:s0] =	ssyncadd.remote.s32 $0x1  }
0xbe: {  	_ =	sfence.sel $0xFFFF  }
0xbf: {  	[dreg:$0x0] =	wrdreg $0xFFFFFFFF;
	(pc) =	sbr.abs _section_cstart, $3  }
0xc0: {  	[dreg:$0x1] =	wrdreg $0xFFFFFFFF  }
0xc1: {  	_ =	task.clear_ibuf [dreg:s7], $0x2FFFF;
	_ =	strace $0x9FFFFFFF  }
0xc2: {  	(tm) =	ssettm $0x7FFFFFFF  }
0xc3: {  	_ =	shalt  }
tec
execute0_lowered:
.L_overlay_start_1:
0x0: {  	(tag) =	ssettag $0x1  }
0x1: {  	v0 =	vimm.s32 $0x14B8;
	vm0 =	vcmask $0x300;
	v1 =	vimm.s32 $0x36B8  }
0x2: {  	vm1 =	vcmask $0x704;
	v0 =	vsel vm0, $0x0, v0;
	v1 =	vsel vm0, $0x2200, v1  }
0x3: {  	vm15 =	vcmask $0xB08;
	v0 =	vsel vm1, $0x88, v0;
	v1 =	vsel vm1, $0x2288, v1  }
0x4: {  	s0 =	rddreg [dreg:$0x0];
	vm4 =	vcmask $0xF0C;
	v0 =	vsel vm15, $0x110, v0;
	v1 =	vsel vm15, $0x2310, v1  }
0x5: {  	s3 =	rddreg [dreg:$0x1];
	s1 =	simm.s32 $0x0;
	vm5 =	vcmask $0x1310;
	v0 =	vsel vm4, $0x198, v0;
	v1 =	vsel vm4, $0x2398, v1  }
0x6: {  	s5 =	srdreg.scid;
	s6 =	stileid.u32;
	vm6 =	vcmask $0x1714;
	s10 =	simm.s32 $0x4;
	v0 =	vsel vm5, $0x220, v0;
	v1 =	vsel vm5, $0x2420, v1  }
0x7: {  	vm7 =	vcmask $0x1B18;
	s11 =	simm.s32 $0x80;
	s16 =	simm.s32 $0x100;
	s17 =	simm.s32 $0x2400;
	v0 =	vsel vm6, $0x2A8, v0;
	v1 =	vsel vm6, $0x24A8, v1  }
0x8: {  	vm8 =	vcmask $0x1F1C;
	s18 =	simm.s32 $0xA400;
	s19 =	simm.s32 $0x180;
	s20 =	simm.s32 $0x3400;
	v0 =	vsel vm7, $0x330, v0;
	v1 =	vsel vm7, $0x2530, v1  }
0x9: {  	vm9 =	vcmask $0x2320;
	s21 =	simm.s32 $0xB400;
	s22 =	simm.s32 $0x1;
	s23 =	simm.s32 $0x2;
	v0 =	vsel vm8, $0x3B8, v0;
	v1 =	vsel vm8, $0x25B8, v1  }
0xa: {  	vm10 =	vcmask $0x2724;
	s24 =	simm.s32 $0x10400;
	s25 =	simm.s32 $0x14800;
	s26 =	simm.s32 $0x3;
	v0 =	vsel vm9, $0x1100, v0;
	v1 =	vsel vm9, $0x3300, v1  }
0xb: {  	vm11 =	vcmask $0x2B28;
	s28 =	simm.s32 $0x0;
	[smem:$0x7FF] =	sst s1;
	s2 =	sadd.s32 $0x1313800, s3;
	v0 =	vsel vm10, $0x1188, v0;
	v1 =	vsel vm10, $0x3388, v1  }
0xc: {  	vm12 =	vcmask $0x2F2C;
	s4 =	sadd.s32 $0xF42E00, s3;
	s5 =	sand.u32 $0x1, s5;
	s6 =	sshll.u32 s6, $0x3;
	v0 =	vsel vm11, $0x1210, v0;
	v1 =	vsel vm11, $0x3410, v1  }
0xd: {  	vm13 =	vcmask $0x3330;
	_ =	strace $0x80000047;
	s7 =	ssub.s32 $0x2, s5;
	s8 =	sshll.u32 s5, $0x2;
	v0 =	vsel vm12, $0x1298, v0;
	v1 =	vsel vm12, $0x3498, v1  }
0xe: {  	vm14 =	vcmask $0x3734;
	s5 =	sadd.s32 $0xA00, s3;
	s9 =	sshrl.u32 s7, $0x1;
	s8 =	sor.u32 s8, s6;
	v0 =	vsel vm13, $0x1320, v0;
	v1 =	vsel vm13, $0x3520, v1  }
0xf: {  	s6 =	sadd.s32 $0x1A0A00, s3;
	vm15 =	vcmask $0x3B38;
	s30 =	ssub.s32 s7, s9;
	s31 =	sshll.u32 s8, $0x4;
	v0 =	vsel vm14, $0x13A8, v0;
	v1 =	vsel vm14, $0x35A8, v1  }
0x10: {  	s8 =	sshll.u32 s8, $0x7;
	s7 =	sadd.s32 s0, s31;
	s9 =	smax.u32 s30, $0x1;
	v0 =	vsel vm15, $0x1430, v0;
	v1 =	vsel vm15, $0x3630, v1  }
.LBB2_1:
0x11: {  	[tilespmem:s1], [sflag:$0x4] =	stream.linear.gather [hbm4b:s7+s1], $0x200, $0x38;
	[tilespmem:$0x18C00] =	vst v63  }
0x12: {  	_ =	swait.ge [sflag:s10], $0x200  }
0x13: {  	[sflag:s10] =	ssyncset.done $0x0  }
0x14: {  	s0 =	simm.s32 $0x400;
	[sflag:s10] =	ssyncadd.s32 $0xFFFFFE00  }
0x15: {  	[tilespmem:s0], [sflag:$0x1] =	stream.indirect.gather [hbm4b:s2+s11], $0x20, s1, s11, $0xb8;
	[tilespmem:$0x18C00] =	vst v63  }
0x16: {  	s15 =	simm.s32 $0x8400  }
0x17: {  	[tilespmem:s15], [sflag:$0x2] =	stream.indirect.gather [hbm4b:s4+s11], $0x20, s1, s11, $0xb8;
	[tilespmem:$0x18C00] =	vst v63  }
0x18: {  	s30 =	simm.s32 $0x1400  }
0x19: {  	[tilespmem:s30], [sflag:$0x1] =	stream.indirect.gather [hbm4b:s2+s11], $0x20, s11, s11, $0xb8;
	[tilespmem:$0x18C00] =	vst v63  }
0x1a: {  	s31 =	simm.s32 $0x9400  }
0x1b: {  	[tilespmem:s31], [sflag:$0x2] =	stream.indirect.gather [hbm4b:s4+s11], $0x20, s11, s11, $0xb8;
	[tilespmem:$0x18C00] =	vst v63  }
0x1c: {  	_ = 	snop  }
0x1d: {  	[tilespmem:s17], [sflag:$0x1] =	stream.indirect.gather [hbm4b:s2+s11], $0x20, s16, s11, $0xb8;
	[tilespmem:$0x18C00] =	vst v63  }
0x1e: {  	_ = 	snop  }
0x1f: {  	[tilespmem:s18], [sflag:$0x2] =	stream.indirect.gather [hbm4b:s4+s11], $0x20, s16, s11, $0xb8;
	[tilespmem:$0x18C00] =	vst v63  }
0x20: {  	_ = 	snop  }
0x21: {  	[tilespmem:s20], [sflag:$0x1] =	stream.indirect.gather [hbm4b:s2+s11], $0x20, s19, s11, $0xb8;
	[tilespmem:$0x18C00] =	vst v63  }
0x22: {  	p0 =	por $0x0, $0x0;
	s29 =	simm.s32 $0x0  }
0x23: {  	[tilespmem:s21], [sflag:$0x2] =	stream.indirect.gather [hbm4b:s4+s11], $0x20, s19, s11, $0xb8;
	[tilespmem:$0x18C00] =	vst v63  }
.LBB2_3:
0x24: {  	s30 =	smov.u32 s29  }
0x25: {  	s29 =	sadd.s32 $0x1, s29;
	p1 =	seq.s32 s30, $0x19  }
0x26: {  	s0 =	sand.u32 @!p1 $0x1, s29;
	s3 =	sshll.u32 @!p1 s29, $0xB  }
0x27: {  	s13 =	simm.s32 @!p1 $0x0;
	s12 =	sshll.u32 @!p1 s0, $0x9;
	s3 =	sadd.s32 @!p1 s3, s7  }
0x28: {  	[tilespmem:s12], [sflag:$0x4] =	stream.linear.gather @!p1 [hbm4b:s3+s13], $0x200, $0x38;
	[tilespmem:$0x18C00] =	vst v63  }
0x29: {  	s3 =	simm.s32 @!p1 $0x4  }
0x2a: {  	_ =	swait.ge @!p1 [sflag:s3], $0x200  }
0x2b: {  	s0 =	sshll.u32 @!p1 s0, $0xE;
	[sflag:s3] =	ssyncset.done @!p1 $0x0  }
0x2c: {  	s13 =	simm.s32 @!p1 $0x80;
	[sflag:s3] =	ssyncadd.s32 @!p1 $0xFFFFFE00;
	s3 =	sor.u32 @!p1 $0x400, s0  }
0x2d: {  	[tilespmem:s3], [sflag:$0x1] =	stream.indirect.gather @!p1 [hbm4b:s2+s13], $0x20, s12, s13, $0xb8;
	[tilespmem:$0x18C00] =	vst v63  }
0x2e: {  	s3 =	sor.u32 @!p1 $0x8400, s0  }
0x2f: {  	[tilespmem:s3], [sflag:$0x2] =	stream.indirect.gather @!p1 [hbm4b:s4+s13], $0x20, s12, s13, $0xb8;
	[tilespmem:$0x18C00] =	vst v63  }
0x30: {  	s14 =	sor.u32 @!p1 $0x80, s12;
	s3 =	sor.u32 @!p1 $0x1400, s0  }
0x31: {  	[tilespmem:s3], [sflag:$0x1] =	stream.indirect.gather @!p1 [hbm4b:s2+s13], $0x20, s14, s13, $0xb8;
	[tilespmem:$0x18C00] =	vst v63  }
0x32: {  	s3 =	sor.u32 @!p1 $0x9400, s0  }
0x33: {  	[tilespmem:s3], [sflag:$0x2] =	stream.indirect.gather @!p1 [hbm4b:s4+s13], $0x20, s14, s13, $0xb8;
	[tilespmem:$0x18C00] =	vst v63  }
0x34: {  	s3 =	sor.u32 @!p1 $0x2400, s0;
	s14 =	sor.u32 @!p1 $0x100, s12  }
0x35: {  	[tilespmem:s3], [sflag:$0x1] =	stream.indirect.gather @!p1 [hbm4b:s2+s13], $0x20, s14, s13, $0xb8;
	[tilespmem:$0x18C00] =	vst v63  }
0x36: {  	s3 =	sor.u32 @!p1 $0xA400, s0  }
0x37: {  	[tilespmem:s3], [sflag:$0x2] =	stream.indirect.gather @!p1 [hbm4b:s4+s13], $0x20, s14, s13, $0xb8;
	[tilespmem:$0x18C00] =	vst v63  }
0x38: {  	s12 =	sor.u32 @!p1 $0x180, s12;
	s3 =	sor.u32 @!p1 $0x3400, s0  }
0x39: {  	[tilespmem:s3], [sflag:$0x1] =	stream.indirect.gather @!p1 [hbm4b:s2+s13], $0x20, s12, s13, $0xb8;
	[tilespmem:$0x18C00] =	vst v63  }
0x3a: {  	s0 =	sor.u32 @!p1 $0xB400, s0  }
0x3b: {  	[tilespmem:s0], [sflag:$0x2] =	stream.indirect.gather @!p1 [hbm4b:s4+s13], $0x20, s12, s13, $0xb8;
	[tilespmem:$0x18C00] =	vst v63  }
0x3c: {  	_ =	swait.ge [sflag:s22], $0x1000  }
0x3d: {  	[sflag:s22] =	ssyncset.done $0x0  }
0x3e: {  	[sflag:s22] =	ssyncadd.s32 $0xFFFFF000  }
0x3f: {  	_ =	swait.ge [sflag:s23], $0x1000  }
0x40: {  	[sflag:s23] =	ssyncset.done $0x0  }
0x41: {  	[sflag:s23] =	ssyncadd.s32 $0xFFFFF000  }
0x42: {  	_ =	swait.ge [sflag:s22], $0x1000  }
0x43: {  	[sflag:s22] =	ssyncset.done $0x0  }
0x44: {  	[sflag:s22] =	ssyncadd.s32 $0xFFFFF000  }
0x45: {  	_ =	swait.ge [sflag:s23], $0x1000  }
0x46: {  	[sflag:s23] =	ssyncset.done $0x0  }
0x47: {  	[sflag:s23] =	ssyncadd.s32 $0xFFFFF000  }
0x48: {  	_ =	swait.ge [sflag:s22], $0x1000  }
0x49: {  	[sflag:s22] =	ssyncset.done $0x0  }
0x4a: {  	[sflag:s22] =	ssyncadd.s32 $0xFFFFF000  }
0x4b: {  	_ =	swait.ge [sflag:s23], $0x1000  }
0x4c: {  	[sflag:s23] =	ssyncset.done $0x0  }
0x4d: {  	[sflag:s23] =	ssyncadd.s32 $0xFFFFF000  }
0x4e: {  	_ =	swait.ge [sflag:s22], $0x1000  }
0x4f: {  	[sflag:s22] =	ssyncset.done $0x0  }
0x50: {  	[sflag:s22] =	ssyncadd.s32 $0xFFFFF000  }
0x51: {  	_ =	swait.ge [sflag:s23], $0x1000  }
0x52: {  	p1 =	seq.s32 s30, $0x0;
	[sflag:s23] =	ssyncset.done $0x0  }
0x53: {  	s0 =	simm.s32 @!p1 $0x3;
	[sflag:s23] =	ssyncadd.s32 $0xFFFFF000  }
0x54: {  	_ =	swait.ge @!p1 [sflag:s0], $0x1000  }
0x55: {  	[sflag:s0] =	ssyncset.done @!p1 $0x0  }
0x56: {  	[sflag:s0] =	ssyncadd.s32 @!p1 $0xFFFFF000  }
0x57: {  	_ =	swait.ge @!p1 [sflag:s0], $0x1000  }
0x58: {  	[sflag:s0] =	ssyncset.done @!p1 $0x0  }
0x59: {  	[sflag:s0] =	ssyncadd.s32 @!p1 $0xFFFFF000  }
0x5a: {  	_ =	swait.ge @!p1 [sflag:s0], $0x1000  }
0x5b: {  	[sflag:s0] =	ssyncset.done @!p1 $0x0  }
0x5c: {  	[sflag:s0] =	ssyncadd.s32 @!p1 $0xFFFFF000  }
0x5d: {  	_ =	swait.ge @!p1 [sflag:s0], $0x1000  }
0x5e: {  	[sflag:s0] =	ssyncset.done @!p1 $0x0  }
0x5f: {  	[sflag:s0] =	ssyncadd.s32 @!p1 $0xFFFFF000  }
0x60: {  	_ =	swait.ge @!p1 [sflag:s0], $0x1000  }
0x61: {  	[sflag:s0] =	ssyncset.done @!p1 $0x0  }
0x62: {  	[sflag:s0] =	ssyncadd.s32 @!p1 $0xFFFFF000  }
0x63: {  	_ =	swait.ge @!p1 [sflag:s0], $0x1000  }
0x64: {  	[sflag:s0] =	ssyncset.done @!p1 $0x0  }
0x65: {  	[sflag:s0] =	ssyncadd.s32 @!p1 $0xFFFFF000  }
0x66: {  	_ =	swait.ge @!p1 [sflag:s0], $0x1000  }
0x67: {  	s3 =	simm.s32 $0x1;
	[sflag:s0] =	ssyncset.done @!p1 $0x0  }
0x68: {  	s3 =	simm.s32 @!p0 $0x0;
	[sflag:s0] =	ssyncadd.s32 @!p1 $0xFFFFF000  }
0x69: {  	s3 =	sshll.u32 s3, $0xE;
	_ =	swait.ge @!p1 [sflag:s0], $0x1000  }
0x6a: {  	s12 =	simm.s32 $0x0;
	s13 =	sor.u32 $0x8410, s3;
	[sflag:s0] =	ssyncset.done @!p1 $0x0  }
0x6b: {  	s14 =	sor.u32 $0x410, s3;
	s3 =	simm.s32 $0x0;
	[sflag:s0] =	ssyncadd.s32 @!p1 $0xFFFFF000  }
.LBB2_4:
0x6c: {  	v2 =	vmov s12  }
0x6d: {  	v2 =	vmul.u32 $0x440, v2;
	_ =	sdelay $0x1  }
0x6e: {  	v2 =	vbroadcast v2, $0x0  }
0x6f: {  	v4 =	vmov s3  }
0x70: {  	v5 =	vand.u32 $0x78, v4;
	v3 =	vadd.s32 v0, v2  }
0x71: {  	v4 =	vand.u32 $0x7, v4;
	v6 =	vadd.s32 v3, v5  }
0x72: {  	v7 =	vld [tilespmem:s14+$0xFFFFFFF0];
	v6 =	vor.u32 v4, v6;
	_ =	sdelay $0x4  }
0x73: {  	[tilespmem:v6+s24+$0x0] =	vst.idx.msk $0xffff, v7  }
0x74: {  	v7 =	vld [tilespmem:s13+$0xFFFFFFF0];
	_ =	sdelay $0x3  }
0x75: {  	v2 =	vadd.s32 v1, v2  }
0x76: {  	v5 =	vadd.s32 v2, v5;
	[tilespmem:v6+s25+$0x0] =	vst.idx.msk $0xffff, v7  }
0x77: {  	v4 =	vor.u32 v4, v5;
	v6 =	vld [tilespmem:s14+$0x0];
	_ =	sdelay $0x4  }
0x78: {  	[tilespmem:v4+s24+$0x0] =	vst.idx.msk $0xffff, v6  }
0x79: {  	v5 =	vld [tilespmem:s13+$0x0];
	_ =	sdelay $0x1  }
0x7a: {  	s0 =	simm.s32 $0x1  }
0x7b: {  	s15 =	simm.s32 $0x2;
	s31 =	smov.u32 s13;
	v6 =	vmov s0;
	s0 =	smov.u32 s14  }
.LBB2_5:
0x7c: {  	p1 =	sne.s32 s15, $0x7F;
	v7 =	vand.u32 $0x78, v6  }
0x7d: {  	v6 =	vand.u32 $0x7, v6;
	s0 =	sadd.s32 $0x20, s0;
	v8 =	vadd.s32 v3, v7;
	[tilespmem:v4+s25+$0x0] =	vst.idx.msk $0xffff, v5  }
0x7e: {  	v4 =	vld [tilespmem:s0+$0xFFFFFFF0];
	v5 =	vor.u32 v6, v8;
	_ =	sdelay $0x4  }
0x7f: {  	s31 =	sadd.s32 $0x20, s31;
	[tilespmem:v5+s24+$0x0] =	vst.idx.msk $0xffff, v4  }
0x80: {  	v4 =	vld [tilespmem:s31+$0xFFFFFFF0];
	_ =	sdelay $0x4  }
0x81: {  	[tilespmem:v5+s25+$0x0] =	vst.idx.msk $0xffff, v4;
	v4 =	vadd.s32 v2, v7  }
0x82: {  	v5 =	vld [tilespmem:s0+$0x0];
	v4 =	vor.u32 v6, v4;
	_ =	sdelay $0x4  }
.Ltmp0:
0x83: {  	[tilespmem:v4+s24+$0x0] =	vst.idx.msk $0xffff, v5;
	(pc) =	sbr.rel @p1 .LBB2_5-.Ltmp0, $2  }
0x84: {  	v5 =	vld [tilespmem:s31+$0x0];
	_ =	sdelay $0x2  }
0x85: {  	v6 =	vmov s15;
	s15 =	sadd.s32 $0x1, s15  }
0x86: {  	_ =	sdelay $0x2  }
0x87: {  	v7 =	vand.u32 $0x78, v6  }
0x88: {  	v63 =	vand.u32 $0x7, v6;
	s0 =	sadd.s32 $0x20, s0;
	v3 =	vadd.s32 v3, v7;
	[tilespmem:v4+s25+$0x0] =	vst.idx.msk $0xffff, v5  }
0x89: {  	v4 =	vld [tilespmem:s0+$0xFFFFFFF0];
	v3 =	vor.u32 v63, v3;
	_ =	sdelay $0x4  }
0x8a: {  	s15 =	sadd.s32 $0x20, s31;
	[tilespmem:v3+s24+$0x0] =	vst.idx.msk $0xffff, v4  }
0x8b: {  	v4 =	vld [tilespmem:s15+$0xFFFFFFF0];
	_ =	sdelay $0x4  }
0x8c: {  	v2 =	vadd.s32 v2, v7;
	[tilespmem:v3+s25+$0x0] =	vst.idx.msk $0xffff, v4  }
0x8d: {  	v2 =	vor.u32 v63, v2;
	v3 =	vld [tilespmem:s0+$0x0];
	_ =	sdelay $0x4  }
0x8e: {  	s12 =	sadd.s32 $0x1, s12;
	[tilespmem:v2+s24+$0x0] =	vst.idx.msk $0xffff, v3  }
0x8f: {  	p1 =	sne.s32 s12, $0x4;
	v3 =	vld [tilespmem:s15+$0x0]  }
.Ltmp1:
0x90: {  	_ = 	snop;
	(pc) =	sbr.rel @p1 .LBB2_4-.Ltmp1, $2  }
0x91: {  	_ =	sdelay $0x2  }
0x92: {  	s13 =	sadd.s32 $0x1000, s13;
	s14 =	sadd.s32 $0x1000, s14;
	[tilespmem:v2+s25+$0x0] =	vst.idx.msk $0xffff, v3  }
0x93: {  	s0 =	sshll.u32 s30, $0x10  }
0x94: {  	s30 =	sor.u32 s8, s0  }
0x95: {  	s3 =	simm.s32 $0x10400;
	s0 =	sadd.s32 s5, s30  }
0x96: {  	s12 =	simm.s32 $0x10;
	s13 =	simm.s32 $0x10488;
	s14 =	sadd.s32 $0x0, s0  }
.LBB2_8:
0x97: {  	[hbm4b:s14+s1] =	stream.linear.scatter [tilespmem:s3], [sflag:$0x3], $0x80, $0x38;
	[tilespmem:$0x18C00] =	vst v63  }
0x98: {  	s14 =	smov.u32 s12;
	s3 =	smov.u32 s13;
	p1 =	sne.s32 s12, $0x1F0  }
.Ltmp2:
0x99: {  	s12 =	sadd.s32 $0x10, s12;
	(pc) =	sbr.rel @p1 .LBB2_8-.Ltmp2, $2  }
0x9a: {  	_ =	sdelay $0x2  }
0x9b: {  	s13 =	sadd.s32 $0x88, s13;
	s14 =	sadd.s32 s14, s0  }
0x9c: {  	[hbm4b:s14+s1] =	stream.linear.scatter [tilespmem:s3], [sflag:$0x3], $0x80, $0x38;
	[tilespmem:$0x18C00] =	vst v63  }
0x9d: {  	s0 =	sadd.s32 s6, s30;
	s3 =	simm.s32 $0x14800  }
0x9e: {  	s12 =	simm.s32 $0x10;
	s13 =	simm.s32 $0x14888;
	s14 =	sadd.s32 $0x0, s0  }
.LBB2_10:
0x9f: {  	[hbm4b:s14+s1] =	stream.linear.scatter [tilespmem:s3], [sflag:$0x3], $0x80, $0x38;
	[tilespmem:$0x18C00] =	vst v63  }
0xa0: {  	s14 =	smov.u32 s12;
	s3 =	smov.u32 s13;
	p1 =	sne.s32 s12, $0x1F0  }
.Ltmp3:
0xa1: {  	s12 =	sadd.s32 $0x10, s12;
	(pc) =	sbr.rel @p1 .LBB2_10-.Ltmp3, $2  }
0xa2: {  	_ =	sdelay $0x2  }
0xa3: {  	s13 =	sadd.s32 $0x88, s13;
	s14 =	sadd.s32 s14, s0  }
0xa4: {  	[hbm4b:s14+s1] =	stream.linear.scatter [tilespmem:s3], [sflag:$0x3], $0x80, $0x38;
	[tilespmem:$0x18C00] =	vst v63  }
0xa5: {  	s0 =	sor.u32 $0x4000, s30  }
0xa6: {  	s12 =	simm.s32 $0x11500;
	s3 =	sadd.s32 s5, s0  }
0xa7: {  	s13 =	simm.s32 $0x10;
	s14 =	simm.s32 $0x11588;
	s15 =	sadd.s32 $0x0, s3  }
.LBB2_12:
0xa8: {  	[hbm4b:s15+s1] =	stream.linear.scatter [tilespmem:s12], [sflag:$0x3], $0x80, $0x38;
	[tilespmem:$0x18C00] =	vst v63  }
0xa9: {  	s15 =	smov.u32 s13;
	s12 =	smov.u32 s14;
	p1 =	sne.s32 s13, $0x1F0  }
.Ltmp4:
0xaa: {  	s13 =	sadd.s32 $0x10, s13;
	(pc) =	sbr.rel @p1 .LBB2_12-.Ltmp4, $2  }
0xab: {  	_ =	sdelay $0x2  }
0xac: {  	s14 =	sadd.s32 $0x88, s14;
	s15 =	sadd.s32 s15, s3  }
0xad: {  	[hbm4b:s15+s1] =	stream.linear.scatter [tilespmem:s12], [sflag:$0x3], $0x80, $0x38;
	[tilespmem:$0x18C00] =	vst v63  }
0xae: {  	s0 =	sadd.s32 s6, s0;
	s3 =	simm.s32 $0x15900  }
0xaf: {  	s12 =	simm.s32 $0x10;
	s13 =	simm.s32 $0x15988;
	s14 =	sadd.s32 $0x0, s0  }
.LBB2_14:
0xb0: {  	[hbm4b:s14+s1] =	stream.linear.scatter [tilespmem:s3], [sflag:$0x3], $0x80, $0x38;
	[tilespmem:$0x18C00] =	vst v63  }
0xb1: {  	s14 =	smov.u32 s12;
	s3 =	smov.u32 s13;
	p1 =	sne.s32 s12, $0x1F0  }
.Ltmp5:
0xb2: {  	s12 =	sadd.s32 $0x10, s12;
	(pc) =	sbr.rel @p1 .LBB2_14-.Ltmp5, $2  }
0xb3: {  	_ =	sdelay $0x2  }
0xb4: {  	s13 =	sadd.s32 $0x88, s13;
	s14 =	sadd.s32 s14, s0  }
0xb5: {  	[hbm4b:s14+s1] =	stream.linear.scatter [tilespmem:s3], [sflag:$0x3], $0x80, $0x38;
	[tilespmem:$0x18C00] =	vst v63  }
0xb6: {  	s0 =	sor.u32 $0x8000, s30  }
0xb7: {  	s12 =	simm.s32 $0x12600;
	s3 =	sadd.s32 s5, s0  }
0xb8: {  	s13 =	simm.s32 $0x10;
	s14 =	simm.s32 $0x12688;
	s15 =	sadd.s32 $0x0, s3  }
.LBB2_16:
0xb9: {  	[hbm4b:s15+s1] =	stream.linear.scatter [tilespmem:s12], [sflag:$0x3], $0x80, $0x38;
	[tilespmem:$0x18C00] =	vst v63  }
0xba: {  	s15 =	smov.u32 s13;
	s12 =	smov.u32 s14;
	p1 =	sne.s32 s13, $0x1F0  }
.Ltmp6:
0xbb: {  	s13 =	sadd.s32 $0x10, s13;
	(pc) =	sbr.rel @p1 .LBB2_16-.Ltmp6, $2  }
0xbc: {  	_ =	sdelay $0x2  }
0xbd: {  	s14 =	sadd.s32 $0x88, s14;
	s15 =	sadd.s32 s15, s3  }
0xbe: {  	[hbm4b:s15+s1] =	stream.linear.scatter [tilespmem:s12], [sflag:$0x3], $0x80, $0x38;
	[tilespmem:$0x18C00] =	vst v63  }
0xbf: {  	s0 =	sadd.s32 s6, s0;
	s3 =	simm.s32 $0x16A00  }
0xc0: {  	s12 =	simm.s32 $0x10;
	s13 =	simm.s32 $0x16A88;
	s14 =	sadd.s32 $0x0, s0  }
.LBB2_18:
0xc1: {  	[hbm4b:s14+s1] =	stream.linear.scatter [tilespmem:s3], [sflag:$0x3], $0x80, $0x38;
	[tilespmem:$0x18C00] =	vst v63  }
0xc2: {  	s14 =	smov.u32 s12;
	s3 =	smov.u32 s13;
	p1 =	sne.s32 s12, $0x1F0  }
.Ltmp7:
0xc3: {  	s12 =	sadd.s32 $0x10, s12;
	(pc) =	sbr.rel @p1 .LBB2_18-.Ltmp7, $2  }
0xc4: {  	_ =	sdelay $0x2  }
0xc5: {  	s13 =	sadd.s32 $0x88, s13;
	s14 =	sadd.s32 s14, s0  }
0xc6: {  	[hbm4b:s14+s1] =	stream.linear.scatter [tilespmem:s3], [sflag:$0x3], $0x80, $0x38;
	[tilespmem:$0x18C00] =	vst v63  }
0xc7: {  	s0 =	sor.u32 $0xC000, s30  }
0xc8: {  	s12 =	simm.s32 $0x13700;
	s3 =	sadd.s32 s5, s0  }
0xc9: {  	s13 =	simm.s32 $0x10;
	s14 =	simm.s32 $0x13788;
	s15 =	sadd.s32 $0x0, s3  }
.LBB2_20:
0xca: {  	[hbm4b:s15+s1] =	stream.linear.scatter [tilespmem:s12], [sflag:$0x3], $0x80, $0x38;
	[tilespmem:$0x18C00] =	vst v63  }
0xcb: {  	s15 =	smov.u32 s13;
	s12 =	smov.u32 s14;
	p1 =	sne.s32 s13, $0x1F0  }
.Ltmp8:
0xcc: {  	s13 =	sadd.s32 $0x10, s13;
	(pc) =	sbr.rel @p1 .LBB2_20-.Ltmp8, $2  }
0xcd: {  	_ =	sdelay $0x2  }
0xce: {  	s14 =	sadd.s32 $0x88, s14;
	s15 =	sadd.s32 s15, s3  }
0xcf: {  	[hbm4b:s15+s1] =	stream.linear.scatter [tilespmem:s12], [sflag:$0x3], $0x80, $0x38;
	[tilespmem:$0x18C00] =	vst v63  }
0xd0: {  	s0 =	sadd.s32 s6, s0;
	s3 =	simm.s32 $0x17B00  }
0xd1: {  	s12 =	simm.s32 $0x10;
	s13 =	simm.s32 $0x17B88;
	s14 =	sadd.s32 $0x0, s0  }
.LBB2_22:
0xd2: {  	[hbm4b:s14+s1] =	stream.linear.scatter [tilespmem:s3], [sflag:$0x3], $0x80, $0x38;
	[tilespmem:$0x18C00] =	vst v63  }
0xd3: {  	s14 =	smov.u32 s12;
	s3 =	smov.u32 s13;
	p1 =	seq.s32 s12, $0x1F0  }
.Ltmp9:
0xd4: {  	s12 =	sadd.s32 $0x10, s12;
	(pc) =	sbr.rel @!p1 .LBB2_22-.Ltmp9, $2  }
0xd5: {  	_ =	sdelay $0x2  }
0xd6: {  	s13 =	sadd.s32 $0x88, s13;
	s14 =	sadd.s32 s14, s0  }
0xd7: {  	[hbm4b:s14+s1] =	stream.linear.scatter [tilespmem:s3], [sflag:$0x3], $0x80, $0x38;
	[tilespmem:$0x18C00] =	vst v63  }
0xd8: {  	p1 =	seq.s32 s29, $0x1A  }
.Ltmp10:
0xd9: {  	_ = 	snop;
	(pc) =	sbr.rel @!p1 .LBB2_3-.Ltmp10, $2  }
0xda: {  	_ =	sdelay $0x2  }
0xdb: {  	p0 =	por !p0, !p0  }
0xdc: {  	_ =	swait.ge [sflag:s26], $0x1000  }
0xdd: {  	[sflag:s26] =	ssyncset.done $0x0  }
0xde: {  	[sflag:s26] =	ssyncadd.s32 $0xFFFFF000  }
0xdf: {  	_ =	swait.ge [sflag:s26], $0x1000  }
0xe0: {  	[sflag:s26] =	ssyncset.done $0x0  }
0xe1: {  	[sflag:s26] =	ssyncadd.s32 $0xFFFFF000  }
0xe2: {  	_ =	swait.ge [sflag:s26], $0x1000  }
0xe3: {  	[sflag:s26] =	ssyncset.done $0x0  }
0xe4: {  	[sflag:s26] =	ssyncadd.s32 $0xFFFFF000  }
0xe5: {  	_ =	swait.ge [sflag:s26], $0x1000  }
0xe6: {  	[sflag:s26] =	ssyncset.done $0x0  }
0xe7: {  	[sflag:s26] =	ssyncadd.s32 $0xFFFFF000  }
0xe8: {  	_ =	swait.ge [sflag:s26], $0x1000  }
0xe9: {  	[sflag:s26] =	ssyncset.done $0x0  }
0xea: {  	[sflag:s26] =	ssyncadd.s32 $0xFFFFF000  }
0xeb: {  	_ =	swait.ge [sflag:s26], $0x1000  }
0xec: {  	[sflag:s26] =	ssyncset.done $0x0  }
0xed: {  	s28 =	sadd.s32 $0x1, s28;
	[sflag:s26] =	ssyncadd.s32 $0xFFFFF000  }
0xee: {  	p0 =	sne.s32 s28, s9;
	_ =	swait.ge [sflag:s26], $0x1000  }
.Ltmp11:
0xef: {  	[sflag:s26] =	ssyncset.done $0x0;
	(pc) =	sbr.rel @p0 .LBB2_1-.Ltmp11, $4  }
0xf0: {  	[sflag:s26] =	ssyncadd.s32 $0xFFFFF000  }
0xf1: {  	_ =	swait.ge [sflag:s26], $0x1000  }
0xf2: {  	[sflag:s26] =	ssyncset.done $0x0  }
0xf3: {  	[sflag:s26] =	ssyncadd.s32 $0xFFFFF000  }
0xf4: {  	_ =	sfence.sel $0x180000  }
0xf5: {  	[bflag:$0x0] =	sbarrier.arrive $0xFFFF  }
0xf6: {  	_ =	strace $0x90000047  }
0xf7: {  	s0 =	stileid.u32;
	[bflag:$0x2] =	sbarrier.arrive $0xFFFF  }
0xf8: {  	p0 =	sne.s32 s0, $0x0;
	s0 =	rddreg [dreg:$0x2]  }
0xf9: {  	s0 =	sadd.s32 @!p0 $0x100000, s0  }
0xfa: {  	[sflag:s0] =	ssyncadd.tile.s32 @!p0 $0x1;
	_ =	shalt  }
.Lfunc_end2:
_tile_overlayer_lowered:
.L_overlay_start_2:
0xfb: {  	(tag) =	ssettag $0x2  }
0xfc: {  	s0 =	rddreg [dreg:$0x0];
	s2 =	stileid.u32  }
0xfd: {  	s1 =	rddreg [dreg:$0x1];
	p0 =	sne.s32 s2, $0x0  }
0xfe: {  	s3 =	rddreg [dreg:$0x2];
	[bflag:$0x3] =	sbarrier.arrive $0xFFFF;
	s2 =	simm.s32 @!p0 $0x1C04  }
0xff: {  	[timem:s3], [sflag:s2] =	dma.local @!p0 [hbm:s0], s1  }
0x100: {  	s0 =	simm.s32 @!p0 $0x4  }
0x101: {  	_ =	swait.ge @!p0 [sflag:s0], s1  }
0x102: {  	s1 =	ssub.s32 @!p0 $0x0, s1;
	[sflag:s0] =	ssyncset.done @!p0 $0x0  }
0x103: {  	[sflag:s0] =	ssyncadd.s32 @!p0 s1  }
0x104: {  	[bflag:$0x3] =	sbarrier.arrive $0xFFFF  }
0x105: {  	_ =	shalt  }

</sc_bundles>
